<compile_context>
chip_gen: v7x
topology: tpu7x:2x2x1
jax: 0.10.2.dev20260603
libtpu: 0.0.44.dev20260713+nightly
codegen_flags: <defaults>
</compile_context>

<pallas_src>
import functools

import jax
import jax.numpy as jnp
from jax import lax
from jax.experimental import pallas as pl
from jax.experimental.pallas import tpu as pltpu
from jax.experimental.pallas import tpu_sc as plsc

N_NODES = 10000
N_EDGES = 160000
T = 256
PAIRS = 2 * T
D = 128
HID = 256
N_PAD = 10240
RP_PAD = 10016
COLS_PAD = N_EDGES + 64
W = 64


def _sc_build(nodes, cols, row_ptr, x):
  info = plsc.get_sparse_core_info()
  NC, NS = info.num_cores, info.num_subcores
  NW = NC * NS
  PPW = PAIRS // NW
  mesh = plsc.VectorSubcoreMesh(core_axis_name="c", subcore_axis_name="s")

  @functools.partial(
      pl.kernel, mesh=mesh,
      compiler_params=pltpu.CompilerParams(needs_layout_passes=False),
      out_type=[
          jax.ShapeDtypeStruct((PAIRS, N_PAD), jnp.float32),
          jax.ShapeDtypeStruct((PAIRS, N_PAD), jnp.float32),
          jax.ShapeDtypeStruct((PAIRS, D), jnp.float32),
      ],
      scratch_types=[
          pltpu.VMEM((PPW + 16,), jnp.int32),
          pltpu.VMEM((RP_PAD,), jnp.int32),
          pltpu.VMEM((N_PAD,), jnp.float32),
          pltpu.VMEM((N_PAD,), jnp.float32),
          pltpu.VMEM((W + 16,), jnp.int32),
          pltpu.VMEM((W,), jnp.int32),
          pltpu.VMEM((PPW, D), jnp.float32),
          pltpu.VMEM_SHARED((COLS_PAD,), jnp.int32),
          pltpu.SemaphoreType.DMA,
      ],
  )
  def k(nodes_h, cols_h, rp_h, x_h, m1_h, m2_h, xg_h,
        nodes_v, rp_v, m1row, m2row, c1, c2, xrows, cols_s, sem):
    cid = lax.axis_index("c")
    sid = lax.axis_index("s")
    wid = sid * NC + cid
    base_pair = wid * PPW

    @pl.when(sid == 0)
    def _():
      pltpu.sync_copy(cols_h, cols_s)
    plsc.subcore_barrier()

    pltpu.sync_copy(rp_h, rp_v)
    pltpu.sync_copy(nodes_h.at[pl.ds(base_pair, PPW)],
                    nodes_v.at[pl.ds(0, PPW)])

    idxv = nodes_v[pl.ds(0, 16)]
    pltpu.async_copy(x_h.at[idxv], xrows, sem).wait()
    pltpu.sync_copy(xrows, xg_h.at[pl.ds(base_pair, PPW)])

    lanes = lax.iota(jnp.int32, 16)
    ones = jnp.ones((16,), jnp.float32)

    def sload(ref, i):
      return ref[pl.ds(i, 16)][0]

    def scatter_window(dst_row, chunk, s, b, e):
      for g in range(W // 16):
        col = chunk[pl.ds(g * 16, 16)]
        gl = g * 16 + lanes
        valid = (gl >= (s - b)) & (gl < (e - b))
        plsc.store_scatter(dst_row, [col], ones, mask=valid)

    def fill_one_hop(dst_row, n):
      s = sload(rp_v, n)
      e = sload(rp_v, n + 1)
      b0 = (s // 8) * 8
      nwin = (e - b0 + (W - 1)) // W

      @pl.loop(0, nwin)
      def _(w):
        b = b0 + w * W
        pltpu.sync_copy(cols_s.at[pl.ds(b, W)], c1.at[pl.ds(0, W)])
        scatter_window(dst_row, c1, s, b, e)

    def fill_two_hop(dst_row, n):
      s = sload(rp_v, n)
      e = sload(rp_v, n + 1)
      b0 = (s // 8) * 8
      nwin = (e - b0 + (W - 1)) // W

      @pl.loop(0, nwin)
      def _(w):
        b = b0 + w * W
        pltpu.sync_copy(cols_s.at[pl.ds(b, W)], c1.at[pl.ds(0, W)])
        jlo = jnp.maximum(s - b, 0)
        jhi = jnp.minimum(e - b, W)

        @pl.loop(jlo, jhi)
        def _(j):
          kk = sload(c1, j)
          s2 = sload(rp_v, kk)
          e2 = sload(rp_v, kk + 1)
          b20 = (s2 // 8) * 8
          nw2 = (e2 - b20 + (W - 1)) // W

          @pl.loop(0, nw2)
          def _(w2):
            b2 = b20 + w2 * W
            pltpu.sync_copy(cols_s.at[pl.ds(b2, W)], c2)
            scatter_window(dst_row, c2, s2, b2, e2)

    def pair_body(p, carry):
      n = sload(nodes_v, p)

      def zbody(i, carry2):
        m1row[pl.ds(i * 16, 16)] = jnp.zeros((16,), jnp.float32)
        m2row[pl.ds(i * 16, 16)] = jnp.zeros((16,), jnp.float32)
        return carry2

      lax.fori_loop(0, N_PAD // 16, zbody, 0)
      fill_one_hop(m1row, n)
      fill_two_hop(m2row, n)
      pg = base_pair + p
      pltpu.sync_copy(m1row, m1_h.at[pg])
      pltpu.sync_copy(m2row, m2_h.at[pg])
      return carry

    lax.fori_loop(0, PPW, pair_body, 0)

  return k(nodes, cols, row_ptr, x)


TN = 1024
GSTEPS = N_PAD // TN


def _tc_body(m1_ref, m2_ref, xb_ref, xg_ref,
             w11, b11, w12, b12, w13, b13,
             w21, b21, w22, b22, w23, b23,
             w41, b41, w42, b42, w43, b43,
             wi1, bi1, wi2, bi2,
             wl1, bl1, wl2, bl2,
             alpha, beta,
             out_ref, a1, a2, a3, a4):
  i = pl.program_id(0)

  @pl.when(i == 0)
  def _():
    a1[...] = jnp.zeros_like(a1)
    a2[...] = jnp.zeros_like(a2)
    a3[...] = jnp.zeros_like(a3)
    a4[...] = jnp.zeros_like(a4)

  m1 = m1_ref[...]
  m2 = m2_ref[...]
  xb = xb_ref[...]
  m1s, m1d = m1[:T, :], m1[T:, :]
  m2s, m2d = m2[:T, :], m2[T:, :]
  dot = functools.partial(jnp.dot, preferred_element_type=jnp.float32)
  a1[...] += dot(m1s * m1d, xb)
  a2[...] += dot(m1s * m2d, xb)
  a3[...] += dot(m2s * m1d, xb)
  a4[...] += dot(m2s * m2d, xb)

  @pl.when(i == GSTEPS - 1)
  def _():
    def mlp3(h, wa, ba, wb, bb, wc, bc):
      h = jnp.maximum(dot(h, wa[...]) + ba[...], 0.0)
      h = jnp.maximum(dot(h, wb[...]) + bb[...], 0.0)
      return dot(h, wc[...]) + bc[...]

    xcn1 = mlp3(a1[...], w11, b11, w12, b12, w13, b13)
    xcn2 = mlp3(a2[...], w21, b21, w22, b22, w23, b23)
    xcn3 = mlp3(a3[...], w21, b21, w22, b22, w23, b23)
    xcn4 = mlp3(a4[...], w41, b41, w42, b42, w43, b43)

    xg = xg_ref[...]
    xij_in = xg[:T, :] * xg[T:, :]
    hij = jnp.maximum(dot(xij_in, wi1[...]) + bi1[...], 0.0)
    xij = dot(hij, wi2[...]) + bi2[...]

    sa = jax.nn.sigmoid(alpha[...])
    al0 = sa[0, 0]
    al1 = al0 * sa[0, 1]
    al2 = al1 * sa[0, 2]
    h = al0 * xcn1 + al1 * xcn2 * xcn3 + al2 * xcn4 + beta[0, 0] * xij
    hl = jnp.maximum(dot(h, wl1[...]) + bl1[...], 0.0)
    out_ref[...] = dot(hl, wl2[...]) + bl2[...]


def _tc_combine(m1, m2, x_pad, xg, flat_w):
  full = lambda arr: pl.BlockSpec(arr.shape, lambda i: (0,) * arr.ndim)
  in_specs = [
      pl.BlockSpec((PAIRS, TN), lambda i: (0, i)),
      pl.BlockSpec((PAIRS, TN), lambda i: (0, i)),
      pl.BlockSpec((TN, D), lambda i: (i, 0)),
      full(xg),
  ] + [full(a) for a in flat_w]
  return pl.pallas_call(
      _tc_body,
      grid=(GSTEPS,),
      in_specs=in_specs,
      out_specs=pl.BlockSpec((T, D), lambda i: (0, 0)),
      out_shape=jax.ShapeDtypeStruct((T, D), jnp.float32),
      scratch_shapes=[pltpu.VMEM((T, D), jnp.float32)] * 4,
  )(m1, m2, x_pad, xg, *flat_w)


def kernel(x, adj, tar_ei, params):
  adj0 = adj[0].astype(jnp.int32)
  adj1 = adj[1].astype(jnp.int32)

  packed = adj0 * 16384 + adj1
  cols_sorted = jnp.sort(packed) & 16383
  counts = jnp.zeros((N_NODES,), jnp.int32).at[adj0].add(1)
  row_ptr = jnp.concatenate(
      [jnp.zeros((1,), jnp.int32), jnp.cumsum(counts, dtype=jnp.int32)])
  row_ptr = jnp.pad(row_ptr, (0, RP_PAD - (N_NODES + 1)),
                    constant_values=N_EDGES)
  cols_pad = jnp.pad(cols_sorted, (0, COLS_PAD - N_EDGES))
  nodes = jnp.concatenate([tar_ei[0], tar_ei[1]]).astype(jnp.int32)

  m1, m2, xg = _sc_build(nodes, cols_pad, row_ptr, x)

  x_pad = jnp.pad(x, ((0, N_PAD - N_NODES), (0, 0)))

  p = params
  row = lambda b: b.reshape(1, -1)
  wl2 = jnp.pad(p["lin"][1]["W"], ((0, 0), (0, D - 1)))
  bl2 = jnp.pad(row(p["lin"][1]["b"]), ((0, 0), (0, D - 1)))
  flat_w = [
      p["xcn1"][0]["W"], row(p["xcn1"][0]["b"]),
      p["xcn1"][1]["W"], row(p["xcn1"][1]["b"]),
      p["xcn1"][2]["W"], row(p["xcn1"][2]["b"]),
      p["xcn2"][0]["W"], row(p["xcn2"][0]["b"]),
      p["xcn2"][1]["W"], row(p["xcn2"][1]["b"]),
      p["xcn2"][2]["W"], row(p["xcn2"][2]["b"]),
      p["xcn4"][0]["W"], row(p["xcn4"][0]["b"]),
      p["xcn4"][1]["W"], row(p["xcn4"][1]["b"]),
      p["xcn4"][2]["W"], row(p["xcn4"][2]["b"]),
      p["xij"][0]["W"], row(p["xij"][0]["b"]),
      p["xij"][1]["W"], row(p["xij"][1]["b"]),
      p["lin"][0]["W"], row(p["lin"][0]["b"]),
      wl2, bl2,
      p["alpha"].reshape(1, 3), p["beta"].reshape(1, 1),
  ]
  out = _tc_combine(m1, m2, x_pad, xg, flat_w)
  return out[:, :1]

# --- scband reference (transcript-rebuilt; emitter-appended) ---
"""Pipeline reference for scband-cn2-link-predictor-51256139711065 (READ-ONLY COPY).

The authoritative reference and input builder live on the scoring server;
editing this copy changes nothing except your own understanding.
"""

import jax, jax.numpy as jnp
import numpy as np

N_NODES = 10000
N_EDGES = 160000
T_EDGES = 256
IN_CH = 128
HID = 256
OUT_CH = 1


def _lin(key, din, dout):
    k1, k2 = jax.random.split(key)
    return {"W": jax.random.normal(k1, (din, dout), jnp.float32) * 0.05,
            "b": jax.random.normal(k2, (dout,), jnp.float32) * 0.05}


def _mlp3_params(key, din, dh):
    kk = jax.random.split(key, 3)
    return [_lin(kk[0], din, dh), _lin(kk[1], dh, dh), _lin(kk[2], dh, dh)]


def _mlp2_params(key, din, dh, dout):
    kk = jax.random.split(key, 2)
    return [_lin(kk[0], din, dh), _lin(kk[1], dh, dout)]


def setup_inputs(seed: int = 0):
    key = jax.random.key(seed)
    ks = jax.random.split(key, 8)
    x = jax.random.normal(ks[0], (N_NODES, IN_CH), jnp.float32)
    adj = jax.random.randint(ks[1], (2, N_EDGES), 0, N_NODES, dtype=jnp.int32)
    tar_ei = jax.random.randint(ks[2], (2, T_EDGES), 0, N_NODES, dtype=jnp.int32)
    params = {
        "xcn1": _mlp3_params(ks[3], IN_CH, HID),
        "xcn2": _mlp3_params(ks[4], IN_CH, HID),
        "xcn4": _mlp3_params(ks[5], IN_CH, HID),
        "xij": _mlp2_params(ks[6], IN_CH, HID, HID),
        "lin": _mlp2_params(ks[7], HID, HID, OUT_CH),
        "alpha": jnp.ones((3,), jnp.float32),
        "beta": jnp.ones((1,), jnp.float32),
    }
    return {"x": x, "adj": adj, "tar_ei": tar_ei, "params": params}


def _apply_mlp(h, layers):
    # Linear (+ ReLU between layers); Dropout is identity in eval, ln=False -> Identity
    for i, p in enumerate(layers):
        h = h @ p["W"] + p["b"]
        if i < len(layers) - 1:
            h = jax.nn.relu(h)
    return h


def reference(x, adj, tar_ei, params):
    N = x.shape[0]
    # binary adjacency (SparseTensor with implicit ones), densified
    A = jnp.zeros((N, N), jnp.float32).at[adj[0], adj[1]].set(1.0)
    src, dst = tar_ei[0], tar_ei[1]
    A_src = A[src]
    A_dst = A[dst]
    # adj2 = binarized(spadj @ spadj); only the rows for target endpoints are needed
    A2_src = (A_src @ A > 0).astype(jnp.float32)
    A2_dst = (A_dst @ A > 0).astype(jnp.float32)
    # adjoverlap: row intersections (filled1=False)
    cn1 = A_src * A_dst
    cn2 = A_src * A2_dst
    cn3 = A2_src * A_dst
    cn4 = A2_src * A2_dst
    # spmm_add(cn, x): sum features over common neighbors
    xcn1 = _apply_mlp(cn1 @ x, params["xcn1"])
    xcn2 = _apply_mlp(cn2 @ x, params["xcn2"])
    xcn3 = _apply_mlp(cn3 @ x, params["xcn2"])  # shares xcn2lin weights, as in torch code
    xcn4 = _apply_mlp(cn4 @ x, params["xcn4"])
    xij = _apply_mlp(x[src] * x[dst], params["xij"])
    alpha = jnp.cumprod(jax.nn.sigmoid(params["alpha"]))
    h = alpha[0] * xcn1 + alpha[1] * xcn2 * xcn3 + alpha[2] * xcn4 + params["beta"] * xij
    return _apply_mlp(h, params["lin"])

if __name__ == "__main__":
    import jax
    _d = setup_inputs()
    print(jax.jit(kernel)(*tuple(_d.values())))

</pallas_src>

<mosaic_0001>
#map = affine_map<(d0, d1) -> (0)>
#map1 = affine_map<(d0, d1) -> (0, 0)>
module attributes {stable_mosaic.version = 14 : i64} {
  func.func @k(%arg0: i32, %arg1: i32, %arg2: memref<512xi32, #tpu.memory_space<hbm>>, %arg3: memref<160064xi32, #tpu.memory_space<hbm>>, %arg4: memref<10016xi32, #tpu.memory_space<hbm>>, %arg5: memref<10000x128xf32, #tpu.memory_space<hbm>>, %arg6: memref<512x10240xf32, #tpu.memory_space<hbm>>, %arg7: memref<512x10240xf32, #tpu.memory_space<hbm>>, %arg8: memref<512x128xf32, #tpu.memory_space<hbm>>, %arg9: memref<32xi32, #tpu.memory_space<vmem>>, %arg10: memref<10016xi32, #tpu.memory_space<vmem>>, %arg11: memref<10240xf32, #tpu.memory_space<vmem>>, %arg12: memref<10240xf32, #tpu.memory_space<vmem>>, %arg13: memref<80xi32, #tpu.memory_space<vmem>>, %arg14: memref<64xi32, #tpu.memory_space<vmem>>, %arg15: memref<16x128xf32, #tpu.memory_space<vmem>>, %arg16: memref<160064xi32, #tpu.memory_space<vmem_shared>>, %arg17: memref<!tpu.dma_semaphore, #tpu.memory_space<semaphore_mem>>) attributes {dimension_semantics = [#tpu.dimension_semantics<core_parallel>, #tpu.dimension_semantics<subcore_parallel>], iteration_bounds = array<i64: 2, 16>, scalar_prefetch = 0 : i64, scratch_operands = 9 : i64, tpu.core_type = #tpu.core_type<sc_vector_subcore>, window_params = [{transform_indices = #map}, {transform_indices = #map}, {transform_indices = #map}, {transform_indices = #map1}, {transform_indices = #map1}, {transform_indices = #map1}, {transform_indices = #map1}]} {
    %mul3A = arith.constant 2 : i32
    %mul3A_0 = arith.muli %arg1, %mul3A : i32
    %add3A = arith.addi %mul3A_0, %arg0 : i32
    %mul3A_1 = arith.constant 16 : i32
    %mul3A_2 = arith.muli %add3A, %mul3A_1 : i32
    %eq3A = arith.constant 0 : i32
    %eq3A_3 = arith.cmpi eq, %arg1, %eq3A : i32
    %convert_element_type3A = arith.extui %eq3A_3 : i1 to i32
    %cond3A = arith.constant 0 : i32
    %cond3A_4 = arith.cmpi ne, %convert_element_type3A, %cond3A : i32
    scf.if %cond3A_4 {
      "tpu.region"() ({
        %run_scoped3A = tpu.sem_alloc : memref<!tpu.dma_semaphore, #tpu.memory_space<semaphore_mem>>
        tpu.enqueue_dma source(%arg3 : memref<160064xi32, #tpu.memory_space<hbm>>) target(%arg16 : memref<160064xi32, #tpu.memory_space<vmem_shared>>) target_semaphore(%run_scoped3A : memref<!tpu.dma_semaphore, #tpu.memory_space<semaphore_mem>>)
        tpu.wait_dma2 semaphore(%run_scoped3A : memref<!tpu.dma_semaphore, #tpu.memory_space<semaphore_mem>>) src(%arg3 : memref<160064xi32, #tpu.memory_space<hbm>>) dst(%arg16 : memref<160064xi32, #tpu.memory_space<vmem_shared>>)
        tpu.yield
      }) : () -> ()
    } else {
    }
    %barrier3A = arith.constant 0 : index
    tpu.barrier barrier_id(%barrier3A)
    "tpu.region"() ({
      %run_scoped3A = tpu.sem_alloc : memref<!tpu.dma_semaphore, #tpu.memory_space<semaphore_mem>>
      tpu.enqueue_dma source(%arg4 : memref<10016xi32, #tpu.memory_space<hbm>>) target(%arg10 : memref<10016xi32, #tpu.memory_space<vmem>>) target_semaphore(%run_scoped3A : memref<!tpu.dma_semaphore, #tpu.memory_space<semaphore_mem>>)
      tpu.wait_dma2 semaphore(%run_scoped3A : memref<!tpu.dma_semaphore, #tpu.memory_space<semaphore_mem>>) src(%arg4 : memref<10016xi32, #tpu.memory_space<hbm>>) dst(%arg10 : memref<10016xi32, #tpu.memory_space<vmem>>)
      tpu.yield
    }) : () -> ()
    "tpu.region"() ({
      %run_scoped3A = tpu.sem_alloc : memref<!tpu.dma_semaphore, #tpu.memory_space<semaphore_mem>>
      %dma_start3A_16 = arith.constant 0 : i32
      %dma_start3A_17 = tpu.memref_slice %arg9[%dma_start3A_16] : memref<32xi32, #tpu.memory_space<vmem>> -> memref<16xi32, #tpu.memory_space<vmem>>
      %dma_start3A_18 = tpu.memref_slice %arg2[%mul3A_2] : memref<512xi32, #tpu.memory_space<hbm>> -> memref<16xi32, #tpu.memory_space<hbm>>
      %dma_start3A_19 = arith.constant 0 : i32
      %dma_start3A_20 = tpu.memref_slice %arg9[%dma_start3A_19] : memref<32xi32, #tpu.memory_space<vmem>> -> memref<16xi32, #tpu.memory_space<vmem>>
      %dma_start3A_21 = tpu.memref_slice %arg2[%mul3A_2] : memref<512xi32, #tpu.memory_space<hbm>> -> memref<16xi32, #tpu.memory_space<hbm>>
      tpu.enqueue_dma source(%dma_start3A_21 : memref<16xi32, #tpu.memory_space<hbm>>) target(%dma_start3A_20 : memref<16xi32, #tpu.memory_space<vmem>>) target_semaphore(%run_scoped3A : memref<!tpu.dma_semaphore, #tpu.memory_space<semaphore_mem>>)
      %dma_wait3A_22 = arith.constant 0 : i32
      %dma_wait3A_23 = tpu.memref_slice %arg9[%dma_wait3A_22] : memref<32xi32, #tpu.memory_space<vmem>> -> memref<16xi32, #tpu.memory_space<vmem>>
      %dma_wait3A_24 = tpu.memref_slice %arg2[%mul3A_2] : memref<512xi32, #tpu.memory_space<hbm>> -> memref<16xi32, #tpu.memory_space<hbm>>
      %dma_wait3A_25 = arith.constant 0 : i32
      %dma_wait3A_26 = tpu.memref_slice %arg9[%dma_wait3A_25] : memref<32xi32, #tpu.memory_space<vmem>> -> memref<16xi32, #tpu.memory_space<vmem>>
      %dma_wait3A_27 = tpu.memref_slice %arg2[%mul3A_2] : memref<512xi32, #tpu.memory_space<hbm>> -> memref<16xi32, #tpu.memory_space<hbm>>
      tpu.wait_dma2 semaphore(%run_scoped3A : memref<!tpu.dma_semaphore, #tpu.memory_space<semaphore_mem>>) src(%dma_wait3A_27 : memref<16xi32, #tpu.memory_space<hbm>>) dst(%dma_wait3A_26 : memref<16xi32, #tpu.memory_space<vmem>>)
      tpu.yield
    }) : () -> ()
    %get3A = arith.constant 0 : index
    %get3A_5 = tpu.vector_load %arg9[%get3A] {strides = array<i32>} : memref<32xi32, #tpu.memory_space<vmem>>, vector<16xi32>,
    %dma_start3A = arith.constant 0 : i32
    %dma_start3A_6 = arith.constant 0 : i32
    %dma_start3A_7 = tpu.memref_slice %arg5[%dma_start3A, %dma_start3A_6] : memref<10000x128xf32, #tpu.memory_space<hbm>> -> memref<10000x128xf32, #tpu.memory_space<hbm>>
    tpu.enqueue_indirect_dma source(%dma_start3A_7 : memref<10000x128xf32, #tpu.memory_space<hbm>>) target(%arg15 : memref<16x128xf32, #tpu.memory_space<vmem>>) offsets(%get3A_5 : vector<16xi32>) semaphore(%arg17 : memref<!tpu.dma_semaphore, #tpu.memory_space<semaphore_mem>>)
    %dma_wait3A = arith.constant 0 : i32
    %dma_wait3A_8 = arith.constant 0 : i32
    %dma_wait3A_9 = tpu.memref_slice %arg5[%dma_wait3A, %dma_wait3A_8] : memref<10000x128xf32, #tpu.memory_space<hbm>> -> memref<10000x128xf32, #tpu.memory_space<hbm>>
    tpu.wait_indirect_dma semaphore(%arg17 : memref<!tpu.dma_semaphore, #tpu.memory_space<semaphore_mem>>) src(%dma_wait3A_9 : memref<10000x128xf32, #tpu.memory_space<hbm>>) dst(%arg15 : memref<16x128xf32, #tpu.memory_space<vmem>>)
    "tpu.region"() ({
      %run_scoped3A = tpu.sem_alloc : memref<!tpu.dma_semaphore, #tpu.memory_space<semaphore_mem>>
      %dma_start3A_16 = arith.constant 0 : i32
      %dma_start3A_17 = tpu.memref_slice %arg8[%mul3A_2, %dma_start3A_16] : memref<512x128xf32, #tpu.memory_space<hbm>> -> memref<16x128xf32, #tpu.memory_space<hbm>>
      %dma_start3A_18 = arith.constant 0 : i32
      %dma_start3A_19 = tpu.memref_slice %arg8[%mul3A_2, %dma_start3A_18] : memref<512x128xf32, #tpu.memory_space<hbm>> -> memref<16x128xf32, #tpu.memory_space<hbm>>
      tpu.enqueue_dma source(%arg15 : memref<16x128xf32, #tpu.memory_space<vmem>>) target(%dma_start3A_19 : memref<16x128xf32, #tpu.memory_space<hbm>>) target_semaphore(%run_scoped3A : memref<!tpu.dma_semaphore, #tpu.memory_space<semaphore_mem>>)
      %dma_wait3A_20 = arith.constant 0 : i32
      %dma_wait3A_21 = tpu.memref_slice %arg8[%mul3A_2, %dma_wait3A_20] : memref<512x128xf32, #tpu.memory_space<hbm>> -> memref<16x128xf32, #tpu.memory_space<hbm>>
      %dma_wait3A_22 = arith.constant 0 : i32
      %dma_wait3A_23 = tpu.memref_slice %arg8[%mul3A_2, %dma_wait3A_22] : memref<512x128xf32, #tpu.memory_space<hbm>> -> memref<16x128xf32, #tpu.memory_space<hbm>>
      tpu.wait_dma2 semaphore(%run_scoped3A : memref<!tpu.dma_semaphore, #tpu.memory_space<semaphore_mem>>) src(%arg15 : memref<16x128xf32, #tpu.memory_space<vmem>>) dst(%dma_wait3A_23 : memref<16x128xf32, #tpu.memory_space<hbm>>)
      tpu.yield
    }) : () -> ()
    %iota3A = tpu.iota {dimensions = array<i32: 0>} : vector<16xi32>
    %broadcast_in_dim3A = arith.constant 1.000000e+00 : f32
    %broadcast_in_dim3A_10 = vector.broadcast %broadcast_in_dim3A : f32 to vector<16xf32>
    %scan3A = arith.constant 0 : i32
    %scan3A_11 = arith.constant 0 : i32
    %scan3A_12 = arith.constant 16 : i32
    %scan3A_13 = arith.addi %scan3A_11, %scan3A_12 : i32
    %scan3A_14 = arith.constant 1 : i32
    scf.for %scan3A_16 = %scan3A_11 to %scan3A_13 step %scan3A_14  : i32 {
      %get3A_17 = arith.index_cast %scan3A_16 : i32 to index
      %get3A_18 = tpu.vector_load %arg9[%get3A_17] {strides = array<i32>} : memref<32xi32, #tpu.memory_space<vmem>>, vector<16xi32>,
      %slice3A = vector.extract_strided_slice %get3A_18 {offsets = [0], sizes = [1], strides = [1]} : vector<16xi32> to vector<1xi32>
      %squeeze3A = vector.extract %slice3A[0] : i32 from vector<1xi32>
      %scan3A_19 = arith.constant 0 : i32
      %scan3A_20 = arith.constant 0 : i32
      %scan3A_21 = arith.constant 640 : i32
      %scan3A_22 = arith.addi %scan3A_20, %scan3A_21 : i32
      %scan3A_23 = arith.constant 1 : i32
      scf.for %scan3A_181 = %scan3A_20 to %scan3A_22 step %scan3A_23  : i32 {
        %broadcast_in_dim3A_182 = arith.constant 0.000000e+00 : f32
        %broadcast_in_dim3A_183 = vector.broadcast %broadcast_in_dim3A_182 : f32 to vector<16xf32>
        %mul3A_184 = arith.constant 16 : i32
        %mul3A_185 = arith.muli %scan3A_181, %mul3A_184 : i32
        %swap3A = arith.index_cast %mul3A_185 : i32 to index
        %swap3A_186 = tpu.vector_load %arg11[%swap3A] {strides = array<i32>} : memref<10240xf32, #tpu.memory_space<vmem>>, vector<16xf32>,
        tpu.vector_store %arg11[%swap3A], %broadcast_in_dim3A_183 {strides = array<i32>} : memref<10240xf32, #tpu.memory_space<vmem>>, vector<16xf32>,
        %broadcast_in_dim3A_187 = arith.constant 0.000000e+00 : f32
        %broadcast_in_dim3A_188 = vector.broadcast %broadcast_in_dim3A_187 : f32 to vector<16xf32>
        %mul3A_189 = arith.constant 16 : i32
        %mul3A_190 = arith.muli %scan3A_181, %mul3A_189 : i32
        %swap3A_191 = arith.index_cast %mul3A_190 : i32 to index
        %swap3A_192 = tpu.vector_load %arg12[%swap3A_191] {strides = array<i32>} : memref<10240xf32, #tpu.memory_space<vmem>>, vector<16xf32>,
        tpu.vector_store %arg12[%swap3A_191], %broadcast_in_dim3A_188 {strides = array<i32>} : memref<10240xf32, #tpu.memory_space<vmem>>, vector<16xf32>,
      }
      %scan3A_24 = arith.constant 640 : i32
      %get3A_25 = arith.index_cast %squeeze3A : i32 to index
      %get3A_26 = tpu.vector_load %arg10[%get3A_25] {strides = array<i32>} : memref<10016xi32, #tpu.memory_space<vmem>>, vector<16xi32>,
      %slice3A_27 = vector.extract_strided_slice %get3A_26 {offsets = [0], sizes = [1], strides = [1]} : vector<16xi32> to vector<1xi32>
      %squeeze3A_28 = vector.extract %slice3A_27[0] : i32 from vector<1xi32>
      %add3A_29 = arith.constant 1 : i32
      %add3A_30 = arith.addi %squeeze3A, %add3A_29 : i32
      %get3A_31 = arith.index_cast %add3A_30 : i32 to index
      %get3A_32 = tpu.vector_load %arg10[%get3A_31] {strides = array<i32>} : memref<10016xi32, #tpu.memory_space<vmem>>, vector<16xi32>,
      %slice3A_33 = vector.extract_strided_slice %get3A_32 {offsets = [0], sizes = [1], strides = [1]} : vector<16xi32> to vector<1xi32>
      %squeeze3A_34 = vector.extract %slice3A_33[0] : i32 from vector<1xi32>
      %jit3A = arith.constant 8 : i32
      %div3A = arith.divsi %squeeze3A_28, %jit3A : i32
      %sign3A = arith.constant 0 : i32
      %sign3A_35 = arith.cmpi sgt, %squeeze3A_28, %sign3A : i32
      %sign3A_36 = arith.extui %sign3A_35 : i1 to i32
      %sign3A_37 = arith.constant 0 : i32
      %sign3A_38 = arith.cmpi slt, %squeeze3A_28, %sign3A_37 : i32
      %sign3A_39 = arith.extui %sign3A_38 : i1 to i32
      %sign3A_40 = arith.subi %sign3A_36, %sign3A_39 : i32
      %sign3A_41 = arith.constant 0 : i32
      %sign3A_42 = arith.cmpi sgt, %jit3A, %sign3A_41 : i32
      %sign3A_43 = arith.extui %sign3A_42 : i1 to i32
      %sign3A_44 = arith.constant 0 : i32
      %sign3A_45 = arith.cmpi slt, %jit3A, %sign3A_44 : i32
      %sign3A_46 = arith.extui %sign3A_45 : i1 to i32
      %sign3A_47 = arith.subi %sign3A_43, %sign3A_46 : i32
      %ne3A = arith.cmpi ne, %sign3A_40, %sign3A_47 : i32
      %rem3A = arith.remsi %squeeze3A_28, %jit3A : i32
      %ne3A_48 = arith.constant 0 : i32
      %ne3A_49 = arith.cmpi ne, %rem3A, %ne3A_48 : i32
      %and3A = arith.andi %ne3A, %ne3A_49 : i1
      %sub3A = arith.constant 1 : i32
      %sub3A_50 = arith.subi %div3A, %sub3A : i32
      %select_n3A = arith.select %and3A, %sub3A_50, %div3A : i32
      %mul3A_51 = arith.constant 8 : i32
      %mul3A_52 = arith.muli %select_n3A, %mul3A_51 : i32
      %sub3A_53 = arith.subi %squeeze3A_34, %mul3A_52 : i32
      %add3A_54 = arith.constant 63 : i32
      %add3A_55 = arith.addi %sub3A_53, %add3A_54 : i32
      %jit3A_56 = arith.constant 64 : i32
      %div3A_57 = arith.divsi %add3A_55, %jit3A_56 : i32
      %sign3A_58 = arith.constant 0 : i32
      %sign3A_59 = arith.cmpi sgt, %add3A_55, %sign3A_58 : i32
      %sign3A_60 = arith.extui %sign3A_59 : i1 to i32
      %sign3A_61 = arith.constant 0 : i32
      %sign3A_62 = arith.cmpi slt, %add3A_55, %sign3A_61 : i32
      %sign3A_63 = arith.extui %sign3A_62 : i1 to i32
      %sign3A_64 = arith.subi %sign3A_60, %sign3A_63 : i32
      %sign3A_65 = arith.constant 0 : i32
      %sign3A_66 = arith.cmpi sgt, %jit3A_56, %sign3A_65 : i32
      %sign3A_67 = arith.extui %sign3A_66 : i1 to i32
      %sign3A_68 = arith.constant 0 : i32
      %sign3A_69 = arith.cmpi slt, %jit3A_56, %sign3A_68 : i32
      %sign3A_70 = arith.extui %sign3A_69 : i1 to i32
      %sign3A_71 = arith.subi %sign3A_67, %sign3A_70 : i32
      %ne3A_72 = arith.cmpi ne, %sign3A_64, %sign3A_71 : i32
      %rem3A_73 = arith.remsi %add3A_55, %jit3A_56 : i32
      %ne3A_74 = arith.constant 0 : i32
      %ne3A_75 = arith.cmpi ne, %rem3A_73, %ne3A_74 : i32
      %and3A_76 = arith.andi %ne3A_72, %ne3A_75 : i1
      %sub3A_77 = arith.constant 1 : i32
      %sub3A_78 = arith.subi %div3A_57, %sub3A_77 : i32
      %select_n3A_79 = arith.select %and3A_76, %sub3A_78, %div3A_57 : i32
      %sub3A_80 = arith.constant 0 : i32
      %sub3A_81 = arith.subi %select_n3A_79, %sub3A_80 : i32
      %sub3A_82 = arith.constant 1 : i32
      %sub3A_83 = arith.constant 1 : i32
      %sub3A_84 = arith.subi %sub3A_82, %sub3A_83 : i32
      %add3A_85 = arith.addi %sub3A_81, %sub3A_84 : i32
      %div3A_86 = arith.constant 1 : i32
      %div3A_87 = arith.divsi %add3A_85, %div3A_86 : i32
      %while3A = arith.constant 1 : i32
      %while3A_88 = arith.constant 0 : i32
      %while3A_89 = arith.constant 0 : i32
      %while3A_90 = arith.subi %div3A_87, %while3A_89 : i32
      %while3A_91 = arith.addi %while3A_89, %while3A_90 : i32
      %while3A_92 = arith.constant 1 : i32
      %while3A_93 = arith.divsi %while3A_90, %while3A_92 : i32
      %while3A_94 = arith.muli %while3A_93, %while3A_92 : i32
      %while3A_95 = arith.addi %while3A_89, %while3A_94 : i32
      %while3A_96 = arith.constant 1 : i32
      scf.for %while3A_181 = %while3A_89 to %while3A_95 step %while3A_96  : i32 {
        %mul3A_182 = arith.muli %while3A_181, %while3A : i32
        %add3A_183 = arith.addi %while3A_88, %mul3A_182 : i32
        %mul3A_184 = arith.constant 64 : i32
        %mul3A_185 = arith.muli %add3A_183, %mul3A_184 : i32
        %add3A_186 = arith.addi %mul3A_52, %mul3A_185 : i32
        "tpu.region"() ({
          %run_scoped3A = tpu.sem_alloc : memref<!tpu.dma_semaphore, #tpu.memory_space<semaphore_mem>>
          %dma_start3A_233 = arith.constant 0 : i32
          %dma_start3A_234 = tpu.memref_slice %arg13[%dma_start3A_233] : memref<80xi32, #tpu.memory_space<vmem>> -> memref<64xi32, #tpu.memory_space<vmem>>
          %dma_start3A_235 = tpu.memref_slice %arg16[%add3A_186] : memref<160064xi32, #tpu.memory_space<vmem_shared>> -> memref<64xi32, #tpu.memory_space<vmem_shared>>
          %dma_start3A_236 = arith.constant 0 : i32
          %dma_start3A_237 = tpu.memref_slice %arg13[%dma_start3A_236] : memref<80xi32, #tpu.memory_space<vmem>> -> memref<64xi32, #tpu.memory_space<vmem>>
          %dma_start3A_238 = tpu.memref_slice %arg16[%add3A_186] : memref<160064xi32, #tpu.memory_space<vmem_shared>> -> memref<64xi32, #tpu.memory_space<vmem_shared>>
          tpu.enqueue_dma source(%dma_start3A_238 : memref<64xi32, #tpu.memory_space<vmem_shared>>) target(%dma_start3A_237 : memref<64xi32, #tpu.memory_space<vmem>>) target_semaphore(%run_scoped3A : memref<!tpu.dma_semaphore, #tpu.memory_space<semaphore_mem>>)
          %dma_wait3A_239 = arith.constant 0 : i32
          %dma_wait3A_240 = tpu.memref_slice %arg13[%dma_wait3A_239] : memref<80xi32, #tpu.memory_space<vmem>> -> memref<64xi32, #tpu.memory_space<vmem>>
          %dma_wait3A_241 = tpu.memref_slice %arg16[%add3A_186] : memref<160064xi32, #tpu.memory_space<vmem_shared>> -> memref<64xi32, #tpu.memory_space<vmem_shared>>
          %dma_wait3A_242 = arith.constant 0 : i32
          %dma_wait3A_243 = tpu.memref_slice %arg13[%dma_wait3A_242] : memref<80xi32, #tpu.memory_space<vmem>> -> memref<64xi32, #tpu.memory_space<vmem>>
          %dma_wait3A_244 = tpu.memref_slice %arg16[%add3A_186] : memref<160064xi32, #tpu.memory_space<vmem_shared>> -> memref<64xi32, #tpu.memory_space<vmem_shared>>
          tpu.wait_dma2 semaphore(%run_scoped3A : memref<!tpu.dma_semaphore, #tpu.memory_space<semaphore_mem>>) src(%dma_wait3A_244 : memref<64xi32, #tpu.memory_space<vmem_shared>>) dst(%dma_wait3A_243 : memref<64xi32, #tpu.memory_space<vmem>>)
          tpu.yield
        }) : () -> ()
        %get3A_187 = arith.constant 0 : index
        %get3A_188 = tpu.vector_load %arg13[%get3A_187] {strides = array<i32>} : memref<80xi32, #tpu.memory_space<vmem>>, vector<16xi32>,
        %add3A_189 = arith.constant 0 : i32
        %add3A_190 = vector.broadcast %add3A_189 : i32 to vector<16xi32>
        %add3A_191 = arith.addi %add3A_190, %iota3A : vector<16xi32>
        %sub3A_192 = arith.subi %squeeze3A_28, %add3A_186 : i32
        %ge3A = vector.broadcast %sub3A_192 : i32 to vector<16xi32>
        %ge3A_193 = arith.cmpi sge, %add3A_191, %ge3A : vector<16xi32>
        %sub3A_194 = arith.subi %squeeze3A_34, %add3A_186 : i32
        %lt3A = vector.broadcast %sub3A_194 : i32 to vector<16xi32>
        %lt3A_195 = arith.cmpi slt, %add3A_191, %lt3A : vector<16xi32>
        %and3A_196 = arith.andi %ge3A_193, %lt3A_195 : vector<16xi1>
        tpu.vector_store_idx %arg11[%get3A_188], %broadcast_in_dim3A_10 masked %and3A_196 : memref<10240xf32, #tpu.memory_space<vmem>>[vector<16xi32>], vector<16xf32>, vector<16xi1>
        %get3A_197 = arith.constant 16 : index
        %get3A_198 = tpu.vector_load %arg13[%get3A_197] {strides = array<i32>} : memref<80xi32, #tpu.memory_space<vmem>>, vector<16xi32>,
        %add3A_199 = arith.constant 16 : i32
        %add3A_200 = vector.broadcast %add3A_199 : i32 to vector<16xi32>
        %add3A_201 = arith.addi %add3A_200, %iota3A : vector<16xi32>
        %sub3A_202 = arith.subi %squeeze3A_28, %add3A_186 : i32
        %ge3A_203 = vector.broadcast %sub3A_202 : i32 to vector<16xi32>
        %ge3A_204 = arith.cmpi sge, %add3A_201, %ge3A_203 : vector<16xi32>
        %sub3A_205 = arith.subi %squeeze3A_34, %add3A_186 : i32
        %lt3A_206 = vector.broadcast %sub3A_205 : i32 to vector<16xi32>
        %lt3A_207 = arith.cmpi slt, %add3A_201, %lt3A_206 : vector<16xi32>
        %and3A_208 = arith.andi %ge3A_204, %lt3A_207 : vector<16xi1>
        tpu.vector_store_idx %arg11[%get3A_198], %broadcast_in_dim3A_10 masked %and3A_208 : memref<10240xf32, #tpu.memory_space<vmem>>[vector<16xi32>], vector<16xf32>, vector<16xi1>
        %get3A_209 = arith.constant 32 : index
        %get3A_210 = tpu.vector_load %arg13[%get3A_209] {strides = array<i32>} : memref<80xi32, #tpu.memory_space<vmem>>, vector<16xi32>,
        %add3A_211 = arith.constant 32 : i32
        %add3A_212 = vector.broadcast %add3A_211 : i32 to vector<16xi32>
        %add3A_213 = arith.addi %add3A_212, %iota3A : vector<16xi32>
        %sub3A_214 = arith.subi %squeeze3A_28, %add3A_186 : i32
        %ge3A_215 = vector.broadcast %sub3A_214 : i32 to vector<16xi32>
        %ge3A_216 = arith.cmpi sge, %add3A_213, %ge3A_215 : vector<16xi32>
        %sub3A_217 = arith.subi %squeeze3A_34, %add3A_186 : i32
        %lt3A_218 = vector.broadcast %sub3A_217 : i32 to vector<16xi32>
        %lt3A_219 = arith.cmpi slt, %add3A_213, %lt3A_218 : vector<16xi32>
        %and3A_220 = arith.andi %ge3A_216, %lt3A_219 : vector<16xi1>
        tpu.vector_store_idx %arg11[%get3A_210], %broadcast_in_dim3A_10 masked %and3A_220 : memref<10240xf32, #tpu.memory_space<vmem>>[vector<16xi32>], vector<16xf32>, vector<16xi1>
        %get3A_221 = arith.constant 48 : index
        %get3A_222 = tpu.vector_load %arg13[%get3A_221] {strides = array<i32>} : memref<80xi32, #tpu.memory_space<vmem>>, vector<16xi32>,
        %add3A_223 = arith.constant 48 : i32
        %add3A_224 = vector.broadcast %add3A_223 : i32 to vector<16xi32>
        %add3A_225 = arith.addi %add3A_224, %iota3A : vector<16xi32>
        %sub3A_226 = arith.subi %squeeze3A_28, %add3A_186 : i32
        %ge3A_227 = vector.broadcast %sub3A_226 : i32 to vector<16xi32>
        %ge3A_228 = arith.cmpi sge, %add3A_225, %ge3A_227 : vector<16xi32>
        %sub3A_229 = arith.subi %squeeze3A_34, %add3A_186 : i32
        %lt3A_230 = vector.broadcast %sub3A_229 : i32 to vector<16xi32>
        %lt3A_231 = arith.cmpi slt, %add3A_225, %lt3A_230 : vector<16xi32>
        %and3A_232 = arith.andi %ge3A_228, %lt3A_231 : vector<16xi1>
        tpu.vector_store_idx %arg11[%get3A_222], %broadcast_in_dim3A_10 masked %and3A_232 : memref<10240xf32, #tpu.memory_space<vmem>>[vector<16xi32>], vector<16xf32>, vector<16xi1>
      }
      %while3A_97 = arith.constant 1 : i32
      scf.for %while3A_181 = %while3A_95 to %while3A_91 step %while3A_97  : i32 {
        %mul3A_182 = arith.muli %while3A_181, %while3A : i32
        %add3A_183 = arith.addi %while3A_88, %mul3A_182 : i32
        %mul3A_184 = arith.constant 64 : i32
        %mul3A_185 = arith.muli %add3A_183, %mul3A_184 : i32
        %add3A_186 = arith.addi %mul3A_52, %mul3A_185 : i32
        "tpu.region"() ({
          %run_scoped3A = tpu.sem_alloc : memref<!tpu.dma_semaphore, #tpu.memory_space<semaphore_mem>>
          %dma_start3A_233 = arith.constant 0 : i32
          %dma_start3A_234 = tpu.memref_slice %arg13[%dma_start3A_233] : memref<80xi32, #tpu.memory_space<vmem>> -> memref<64xi32, #tpu.memory_space<vmem>>
          %dma_start3A_235 = tpu.memref_slice %arg16[%add3A_186] : memref<160064xi32, #tpu.memory_space<vmem_shared>> -> memref<64xi32, #tpu.memory_space<vmem_shared>>
          %dma_start3A_236 = arith.constant 0 : i32
          %dma_start3A_237 = tpu.memref_slice %arg13[%dma_start3A_236] : memref<80xi32, #tpu.memory_space<vmem>> -> memref<64xi32, #tpu.memory_space<vmem>>
          %dma_start3A_238 = tpu.memref_slice %arg16[%add3A_186] : memref<160064xi32, #tpu.memory_space<vmem_shared>> -> memref<64xi32, #tpu.memory_space<vmem_shared>>
          tpu.enqueue_dma source(%dma_start3A_238 : memref<64xi32, #tpu.memory_space<vmem_shared>>) target(%dma_start3A_237 : memref<64xi32, #tpu.memory_space<vmem>>) target_semaphore(%run_scoped3A : memref<!tpu.dma_semaphore, #tpu.memory_space<semaphore_mem>>)
          %dma_wait3A_239 = arith.constant 0 : i32
          %dma_wait3A_240 = tpu.memref_slice %arg13[%dma_wait3A_239] : memref<80xi32, #tpu.memory_space<vmem>> -> memref<64xi32, #tpu.memory_space<vmem>>
          %dma_wait3A_241 = tpu.memref_slice %arg16[%add3A_186] : memref<160064xi32, #tpu.memory_space<vmem_shared>> -> memref<64xi32, #tpu.memory_space<vmem_shared>>
          %dma_wait3A_242 = arith.constant 0 : i32
          %dma_wait3A_243 = tpu.memref_slice %arg13[%dma_wait3A_242] : memref<80xi32, #tpu.memory_space<vmem>> -> memref<64xi32, #tpu.memory_space<vmem>>
          %dma_wait3A_244 = tpu.memref_slice %arg16[%add3A_186] : memref<160064xi32, #tpu.memory_space<vmem_shared>> -> memref<64xi32, #tpu.memory_space<vmem_shared>>
          tpu.wait_dma2 semaphore(%run_scoped3A : memref<!tpu.dma_semaphore, #tpu.memory_space<semaphore_mem>>) src(%dma_wait3A_244 : memref<64xi32, #tpu.memory_space<vmem_shared>>) dst(%dma_wait3A_243 : memref<64xi32, #tpu.memory_space<vmem>>)
          tpu.yield
        }) : () -> ()
        %get3A_187 = arith.constant 0 : index
        %get3A_188 = tpu.vector_load %arg13[%get3A_187] {strides = array<i32>} : memref<80xi32, #tpu.memory_space<vmem>>, vector<16xi32>,
        %add3A_189 = arith.constant 0 : i32
        %add3A_190 = vector.broadcast %add3A_189 : i32 to vector<16xi32>
        %add3A_191 = arith.addi %add3A_190, %iota3A : vector<16xi32>
        %sub3A_192 = arith.subi %squeeze3A_28, %add3A_186 : i32
        %ge3A = vector.broadcast %sub3A_192 : i32 to vector<16xi32>
        %ge3A_193 = arith.cmpi sge, %add3A_191, %ge3A : vector<16xi32>
        %sub3A_194 = arith.subi %squeeze3A_34, %add3A_186 : i32
        %lt3A = vector.broadcast %sub3A_194 : i32 to vector<16xi32>
        %lt3A_195 = arith.cmpi slt, %add3A_191, %lt3A : vector<16xi32>
        %and3A_196 = arith.andi %ge3A_193, %lt3A_195 : vector<16xi1>
        tpu.vector_store_idx %arg11[%get3A_188], %broadcast_in_dim3A_10 masked %and3A_196 : memref<10240xf32, #tpu.memory_space<vmem>>[vector<16xi32>], vector<16xf32>, vector<16xi1>
        %get3A_197 = arith.constant 16 : index
        %get3A_198 = tpu.vector_load %arg13[%get3A_197] {strides = array<i32>} : memref<80xi32, #tpu.memory_space<vmem>>, vector<16xi32>,
        %add3A_199 = arith.constant 16 : i32
        %add3A_200 = vector.broadcast %add3A_199 : i32 to vector<16xi32>
        %add3A_201 = arith.addi %add3A_200, %iota3A : vector<16xi32>
        %sub3A_202 = arith.subi %squeeze3A_28, %add3A_186 : i32
        %ge3A_203 = vector.broadcast %sub3A_202 : i32 to vector<16xi32>
        %ge3A_204 = arith.cmpi sge, %add3A_201, %ge3A_203 : vector<16xi32>
        %sub3A_205 = arith.subi %squeeze3A_34, %add3A_186 : i32
        %lt3A_206 = vector.broadcast %sub3A_205 : i32 to vector<16xi32>
        %lt3A_207 = arith.cmpi slt, %add3A_201, %lt3A_206 : vector<16xi32>
        %and3A_208 = arith.andi %ge3A_204, %lt3A_207 : vector<16xi1>
        tpu.vector_store_idx %arg11[%get3A_198], %broadcast_in_dim3A_10 masked %and3A_208 : memref<10240xf32, #tpu.memory_space<vmem>>[vector<16xi32>], vector<16xf32>, vector<16xi1>
        %get3A_209 = arith.constant 32 : index
        %get3A_210 = tpu.vector_load %arg13[%get3A_209] {strides = array<i32>} : memref<80xi32, #tpu.memory_space<vmem>>, vector<16xi32>,
        %add3A_211 = arith.constant 32 : i32
        %add3A_212 = vector.broadcast %add3A_211 : i32 to vector<16xi32>
        %add3A_213 = arith.addi %add3A_212, %iota3A : vector<16xi32>
        %sub3A_214 = arith.subi %squeeze3A_28, %add3A_186 : i32
        %ge3A_215 = vector.broadcast %sub3A_214 : i32 to vector<16xi32>
        %ge3A_216 = arith.cmpi sge, %add3A_213, %ge3A_215 : vector<16xi32>
        %sub3A_217 = arith.subi %squeeze3A_34, %add3A_186 : i32
        %lt3A_218 = vector.broadcast %sub3A_217 : i32 to vector<16xi32>
        %lt3A_219 = arith.cmpi slt, %add3A_213, %lt3A_218 : vector<16xi32>
        %and3A_220 = arith.andi %ge3A_216, %lt3A_219 : vector<16xi1>
        tpu.vector_store_idx %arg11[%get3A_210], %broadcast_in_dim3A_10 masked %and3A_220 : memref<10240xf32, #tpu.memory_space<vmem>>[vector<16xi32>], vector<16xf32>, vector<16xi1>
        %get3A_221 = arith.constant 48 : index
        %get3A_222 = tpu.vector_load %arg13[%get3A_221] {strides = array<i32>} : memref<80xi32, #tpu.memory_space<vmem>>, vector<16xi32>,
        %add3A_223 = arith.constant 48 : i32
        %add3A_224 = vector.broadcast %add3A_223 : i32 to vector<16xi32>
        %add3A_225 = arith.addi %add3A_224, %iota3A : vector<16xi32>
        %sub3A_226 = arith.subi %squeeze3A_28, %add3A_186 : i32
        %ge3A_227 = vector.broadcast %sub3A_226 : i32 to vector<16xi32>
        %ge3A_228 = arith.cmpi sge, %add3A_225, %ge3A_227 : vector<16xi32>
        %sub3A_229 = arith.subi %squeeze3A_34, %add3A_186 : i32
        %lt3A_230 = vector.broadcast %sub3A_229 : i32 to vector<16xi32>
        %lt3A_231 = arith.cmpi slt, %add3A_225, %lt3A_230 : vector<16xi32>
        %and3A_232 = arith.andi %ge3A_228, %lt3A_231 : vector<16xi1>
        tpu.vector_store_idx %arg11[%get3A_222], %broadcast_in_dim3A_10 masked %and3A_232 : memref<10240xf32, #tpu.memory_space<vmem>>[vector<16xi32>], vector<16xf32>, vector<16xi1>
      }
      %get3A_98 = arith.index_cast %squeeze3A : i32 to index
      %get3A_99 = tpu.vector_load %arg10[%get3A_98] {strides = array<i32>} : memref<10016xi32, #tpu.memory_space<vmem>>, vector<16xi32>,
      %slice3A_100 = vector.extract_strided_slice %get3A_99 {offsets = [0], sizes = [1], strides = [1]} : vector<16xi32> to vector<1xi32>
      %squeeze3A_101 = vector.extract %slice3A_100[0] : i32 from vector<1xi32>
      %add3A_102 = arith.constant 1 : i32
      %add3A_103 = arith.addi %squeeze3A, %add3A_102 : i32
      %get3A_104 = arith.index_cast %add3A_103 : i32 to index
      %get3A_105 = tpu.vector_load %arg10[%get3A_104] {strides = array<i32>} : memref<10016xi32, #tpu.memory_space<vmem>>, vector<16xi32>,
      %slice3A_106 = vector.extract_strided_slice %get3A_105 {offsets = [0], sizes = [1], strides = [1]} : vector<16xi32> to vector<1xi32>
      %squeeze3A_107 = vector.extract %slice3A_106[0] : i32 from vector<1xi32>
      %jit3A_108 = arith.constant 8 : i32
      %div3A_109 = arith.divsi %squeeze3A_101, %jit3A_108 : i32
      %sign3A_110 = arith.constant 0 : i32
      %sign3A_111 = arith.cmpi sgt, %squeeze3A_101, %sign3A_110 : i32
      %sign3A_112 = arith.extui %sign3A_111 : i1 to i32
      %sign3A_113 = arith.constant 0 : i32
      %sign3A_114 = arith.cmpi slt, %squeeze3A_101, %sign3A_113 : i32
      %sign3A_115 = arith.extui %sign3A_114 : i1 to i32
      %sign3A_116 = arith.subi %sign3A_112, %sign3A_115 : i32
      %sign3A_117 = arith.constant 0 : i32
      %sign3A_118 = arith.cmpi sgt, %jit3A_108, %sign3A_117 : i32
      %sign3A_119 = arith.extui %sign3A_118 : i1 to i32
      %sign3A_120 = arith.constant 0 : i32
      %sign3A_121 = arith.cmpi slt, %jit3A_108, %sign3A_120 : i32
      %sign3A_122 = arith.extui %sign3A_121 : i1 to i32
      %sign3A_123 = arith.subi %sign3A_119, %sign3A_122 : i32
      %ne3A_124 = arith.cmpi ne, %sign3A_116, %sign3A_123 : i32
      %rem3A_125 = arith.remsi %squeeze3A_101, %jit3A_108 : i32
      %ne3A_126 = arith.constant 0 : i32
      %ne3A_127 = arith.cmpi ne, %rem3A_125, %ne3A_126 : i32
      %and3A_128 = arith.andi %ne3A_124, %ne3A_127 : i1
      %sub3A_129 = arith.constant 1 : i32
      %sub3A_130 = arith.subi %div3A_109, %sub3A_129 : i32
      %select_n3A_131 = arith.select %and3A_128, %sub3A_130, %div3A_109 : i32
      %mul3A_132 = arith.constant 8 : i32
      %mul3A_133 = arith.muli %select_n3A_131, %mul3A_132 : i32
      %sub3A_134 = arith.subi %squeeze3A_107, %mul3A_133 : i32
      %add3A_135 = arith.constant 63 : i32
      %add3A_136 = arith.addi %sub3A_134, %add3A_135 : i32
      %jit3A_137 = arith.constant 64 : i32
      %div3A_138 = arith.divsi %add3A_136, %jit3A_137 : i32
      %sign3A_139 = arith.constant 0 : i32
      %sign3A_140 = arith.cmpi sgt, %add3A_136, %sign3A_139 : i32
      %sign3A_141 = arith.extui %sign3A_140 : i1 to i32
      %sign3A_142 = arith.constant 0 : i32
      %sign3A_143 = arith.cmpi slt, %add3A_136, %sign3A_142 : i32
      %sign3A_144 = arith.extui %sign3A_143 : i1 to i32
      %sign3A_145 = arith.subi %sign3A_141, %sign3A_144 : i32
      %sign3A_146 = arith.constant 0 : i32
      %sign3A_147 = arith.cmpi sgt, %jit3A_137, %sign3A_146 : i32
      %sign3A_148 = arith.extui %sign3A_147 : i1 to i32
      %sign3A_149 = arith.constant 0 : i32
      %sign3A_150 = arith.cmpi slt, %jit3A_137, %sign3A_149 : i32
      %sign3A_151 = arith.extui %sign3A_150 : i1 to i32
      %sign3A_152 = arith.subi %sign3A_148, %sign3A_151 : i32
      %ne3A_153 = arith.cmpi ne, %sign3A_145, %sign3A_152 : i32
      %rem3A_154 = arith.remsi %add3A_136, %jit3A_137 : i32
      %ne3A_155 = arith.constant 0 : i32
      %ne3A_156 = arith.cmpi ne, %rem3A_154, %ne3A_155 : i32
      %and3A_157 = arith.andi %ne3A_153, %ne3A_156 : i1
      %sub3A_158 = arith.constant 1 : i32
      %sub3A_159 = arith.subi %div3A_138, %sub3A_158 : i32
      %select_n3A_160 = arith.select %and3A_157, %sub3A_159, %div3A_138 : i32
      %sub3A_161 = arith.constant 0 : i32
      %sub3A_162 = arith.subi %select_n3A_160, %sub3A_161 : i32
      %sub3A_163 = arith.constant 1 : i32
      %sub3A_164 = arith.constant 1 : i32
      %sub3A_165 = arith.subi %sub3A_163, %sub3A_164 : i32
      %add3A_166 = arith.addi %sub3A_162, %sub3A_165 : i32
      %div3A_167 = arith.constant 1 : i32
      %div3A_168 = arith.divsi %add3A_166, %div3A_167 : i32
      %while3A_169 = arith.constant 1 : i32
      %while3A_170 = arith.constant 0 : i32
      %while3A_171 = arith.constant 0 : i32
      %while3A_172 = arith.subi %div3A_168, %while3A_171 : i32
      %while3A_173 = arith.addi %while3A_171, %while3A_172 : i32
      %while3A_174 = arith.constant 1 : i32
      %while3A_175 = arith.divsi %while3A_172, %while3A_174 : i32
      %while3A_176 = arith.muli %while3A_175, %while3A_174 : i32
      %while3A_177 = arith.addi %while3A_171, %while3A_176 : i32
      %while3A_178 = arith.constant 1 : i32
      scf.for %while3A_181 = %while3A_171 to %while3A_177 step %while3A_178  : i32 {
        %mul3A_182 = arith.muli %while3A_181, %while3A_169 : i32
        %add3A_183 = arith.addi %while3A_170, %mul3A_182 : i32
        %mul3A_184 = arith.constant 64 : i32
        %mul3A_185 = arith.muli %add3A_183, %mul3A_184 : i32
        %add3A_186 = arith.addi %mul3A_133, %mul3A_185 : i32
        "tpu.region"() ({
          %run_scoped3A = tpu.sem_alloc : memref<!tpu.dma_semaphore, #tpu.memory_space<semaphore_mem>>
          %dma_start3A_208 = arith.constant 0 : i32
          %dma_start3A_209 = tpu.memref_slice %arg13[%dma_start3A_208] : memref<80xi32, #tpu.memory_space<vmem>> -> memref<64xi32, #tpu.memory_space<vmem>>
          %dma_start3A_210 = tpu.memref_slice %arg16[%add3A_186] : memref<160064xi32, #tpu.memory_space<vmem_shared>> -> memref<64xi32, #tpu.memory_space<vmem_shared>>
          %dma_start3A_211 = arith.constant 0 : i32
          %dma_start3A_212 = tpu.memref_slice %arg13[%dma_start3A_211] : memref<80xi32, #tpu.memory_space<vmem>> -> memref<64xi32, #tpu.memory_space<vmem>>
          %dma_start3A_213 = tpu.memref_slice %arg16[%add3A_186] : memref<160064xi32, #tpu.memory_space<vmem_shared>> -> memref<64xi32, #tpu.memory_space<vmem_shared>>
          tpu.enqueue_dma source(%dma_start3A_213 : memref<64xi32, #tpu.memory_space<vmem_shared>>) target(%dma_start3A_212 : memref<64xi32, #tpu.memory_space<vmem>>) target_semaphore(%run_scoped3A : memref<!tpu.dma_semaphore, #tpu.memory_space<semaphore_mem>>)
          %dma_wait3A_214 = arith.constant 0 : i32
          %dma_wait3A_215 = tpu.memref_slice %arg13[%dma_wait3A_214] : memref<80xi32, #tpu.memory_space<vmem>> -> memref<64xi32, #tpu.memory_space<vmem>>
          %dma_wait3A_216 = tpu.memref_slice %arg16[%add3A_186] : memref<160064xi32, #tpu.memory_space<vmem_shared>> -> memref<64xi32, #tpu.memory_space<vmem_shared>>
          %dma_wait3A_217 = arith.constant 0 : i32
          %dma_wait3A_218 = tpu.memref_slice %arg13[%dma_wait3A_217] : memref<80xi32, #tpu.memory_space<vmem>> -> memref<64xi32, #tpu.memory_space<vmem>>
          %dma_wait3A_219 = tpu.memref_slice %arg16[%add3A_186] : memref<160064xi32, #tpu.memory_space<vmem_shared>> -> memref<64xi32, #tpu.memory_space<vmem_shared>>
          tpu.wait_dma2 semaphore(%run_scoped3A : memref<!tpu.dma_semaphore, #tpu.memory_space<semaphore_mem>>) src(%dma_wait3A_219 : memref<64xi32, #tpu.memory_space<vmem_shared>>) dst(%dma_wait3A_218 : memref<64xi32, #tpu.memory_space<vmem>>)
          tpu.yield
        }) : () -> ()
        %sub3A_187 = arith.subi %squeeze3A_101, %add3A_186 : i32
        %max3A = arith.constant 0 : i32
        %max3A_188 = arith.maxsi %sub3A_187, %max3A : i32
        %sub3A_189 = arith.subi %squeeze3A_107, %add3A_186 : i32
        %min3A = arith.constant 64 : i32
        %min3A_190 = arith.minsi %sub3A_189, %min3A : i32
        %sub3A_191 = arith.subi %min3A_190, %max3A_188 : i32
        %sub3A_192 = arith.constant 1 : i32
        %sub3A_193 = arith.constant 1 : i32
        %sub3A_194 = arith.subi %sub3A_192, %sub3A_193 : i32
        %add3A_195 = arith.addi %sub3A_191, %sub3A_194 : i32
        %div3A_196 = arith.constant 1 : i32
        %div3A_197 = arith.divsi %add3A_195, %div3A_196 : i32
        %while3A_198 = arith.constant 1 : i32
        %while3A_199 = arith.constant 0 : i32
        %while3A_200 = arith.subi %div3A_197, %while3A_199 : i32
        %while3A_201 = arith.addi %while3A_199, %while3A_200 : i32
        %while3A_202 = arith.constant 1 : i32
        %while3A_203 = arith.divsi %while3A_200, %while3A_202 : i32
        %while3A_204 = arith.muli %while3A_203, %while3A_202 : i32
        %while3A_205 = arith.addi %while3A_199, %while3A_204 : i32
        %while3A_206 = arith.constant 1 : i32
        scf.for %while3A_208 = %while3A_199 to %while3A_205 step %while3A_206  : i32 {
          %mul3A_209 = arith.muli %while3A_208, %while3A_198 : i32
          %add3A_210 = arith.addi %max3A_188, %mul3A_209 : i32
          %get3A_211 = arith.index_cast %add3A_210 : i32 to index
          %get3A_212 = tpu.vector_load %arg13[%get3A_211] {strides = array<i32>} : memref<80xi32, #tpu.memory_space<vmem>>, vector<16xi32>,
          %slice3A_213 = vector.extract_strided_slice %get3A_212 {offsets = [0], sizes = [1], strides = [1]} : vector<16xi32> to vector<1xi32>
          %squeeze3A_214 = vector.extract %slice3A_213[0] : i32 from vector<1xi32>
          %get3A_215 = arith.index_cast %squeeze3A_214 : i32 to index
          %get3A_216 = tpu.vector_load %arg10[%get3A_215] {strides = array<i32>} : memref<10016xi32, #tpu.memory_space<vmem>>, vector<16xi32>,
          %slice3A_217 = vector.extract_strided_slice %get3A_216 {offsets = [0], sizes = [1], strides = [1]} : vector<16xi32> to vector<1xi32>
          %squeeze3A_218 = vector.extract %slice3A_217[0] : i32 from vector<1xi32>
          %add3A_219 = arith.constant 1 : i32
          %add3A_220 = arith.addi %squeeze3A_214, %add3A_219 : i32
          %get3A_221 = arith.index_cast %add3A_220 : i32 to index
          %get3A_222 = tpu.vector_load %arg10[%get3A_221] {strides = array<i32>} : memref<10016xi32, #tpu.memory_space<vmem>>, vector<16xi32>,
          %slice3A_223 = vector.extract_strided_slice %get3A_222 {offsets = [0], sizes = [1], strides = [1]} : vector<16xi32> to vector<1xi32>
          %squeeze3A_224 = vector.extract %slice3A_223[0] : i32 from vector<1xi32>
          %jit3A_225 = arith.constant 8 : i32
          %div3A_226 = arith.divsi %squeeze3A_218, %jit3A_225 : i32
          %sign3A_227 = arith.constant 0 : i32
          %sign3A_228 = arith.cmpi sgt, %squeeze3A_218, %sign3A_227 : i32
          %sign3A_229 = arith.extui %sign3A_228 : i1 to i32
          %sign3A_230 = arith.constant 0 : i32
          %sign3A_231 = arith.cmpi slt, %squeeze3A_218, %sign3A_230 : i32
          %sign3A_232 = arith.extui %sign3A_231 : i1 to i32
          %sign3A_233 = arith.subi %sign3A_229, %sign3A_232 : i32
          %sign3A_234 = arith.constant 0 : i32
          %sign3A_235 = arith.cmpi sgt, %jit3A_225, %sign3A_234 : i32
          %sign3A_236 = arith.extui %sign3A_235 : i1 to i32
          %sign3A_237 = arith.constant 0 : i32
          %sign3A_238 = arith.cmpi slt, %jit3A_225, %sign3A_237 : i32
          %sign3A_239 = arith.extui %sign3A_238 : i1 to i32
          %sign3A_240 = arith.subi %sign3A_236, %sign3A_239 : i32
          %ne3A_241 = arith.cmpi ne, %sign3A_233, %sign3A_240 : i32
          %rem3A_242 = arith.remsi %squeeze3A_218, %jit3A_225 : i32
          %ne3A_243 = arith.constant 0 : i32
          %ne3A_244 = arith.cmpi ne, %rem3A_242, %ne3A_243 : i32
          %and3A_245 = arith.andi %ne3A_241, %ne3A_244 : i1
          %sub3A_246 = arith.constant 1 : i32
          %sub3A_247 = arith.subi %div3A_226, %sub3A_246 : i32
          %select_n3A_248 = arith.select %and3A_245, %sub3A_247, %div3A_226 : i32
          %mul3A_249 = arith.constant 8 : i32
          %mul3A_250 = arith.muli %select_n3A_248, %mul3A_249 : i32
          %sub3A_251 = arith.subi %squeeze3A_224, %mul3A_250 : i32
          %add3A_252 = arith.constant 63 : i32
          %add3A_253 = arith.addi %sub3A_251, %add3A_252 : i32
          %jit3A_254 = arith.constant 64 : i32
          %div3A_255 = arith.divsi %add3A_253, %jit3A_254 : i32
          %sign3A_256 = arith.constant 0 : i32
          %sign3A_257 = arith.cmpi sgt, %add3A_253, %sign3A_256 : i32
          %sign3A_258 = arith.extui %sign3A_257 : i1 to i32
          %sign3A_259 = arith.constant 0 : i32
          %sign3A_260 = arith.cmpi slt, %add3A_253, %sign3A_259 : i32
          %sign3A_261 = arith.extui %sign3A_260 : i1 to i32
          %sign3A_262 = arith.subi %sign3A_258, %sign3A_261 : i32
          %sign3A_263 = arith.constant 0 : i32
          %sign3A_264 = arith.cmpi sgt, %jit3A_254, %sign3A_263 : i32
          %sign3A_265 = arith.extui %sign3A_264 : i1 to i32
          %sign3A_266 = arith.constant 0 : i32
          %sign3A_267 = arith.cmpi slt, %jit3A_254, %sign3A_266 : i32
          %sign3A_268 = arith.extui %sign3A_267 : i1 to i32
          %sign3A_269 = arith.subi %sign3A_265, %sign3A_268 : i32
          %ne3A_270 = arith.cmpi ne, %sign3A_262, %sign3A_269 : i32
          %rem3A_271 = arith.remsi %add3A_253, %jit3A_254 : i32
          %ne3A_272 = arith.constant 0 : i32
          %ne3A_273 = arith.cmpi ne, %rem3A_271, %ne3A_272 : i32
          %and3A_274 = arith.andi %ne3A_270, %ne3A_273 : i1
          %sub3A_275 = arith.constant 1 : i32
          %sub3A_276 = arith.subi %div3A_255, %sub3A_275 : i32
          %select_n3A_277 = arith.select %and3A_274, %sub3A_276, %div3A_255 : i32
          %sub3A_278 = arith.constant 0 : i32
          %sub3A_279 = arith.subi %select_n3A_277, %sub3A_278 : i32
          %sub3A_280 = arith.constant 1 : i32
          %sub3A_281 = arith.constant 1 : i32
          %sub3A_282 = arith.subi %sub3A_280, %sub3A_281 : i32
          %add3A_283 = arith.addi %sub3A_279, %sub3A_282 : i32
          %div3A_284 = arith.constant 1 : i32
          %div3A_285 = arith.divsi %add3A_283, %div3A_284 : i32
          %while3A_286 = arith.constant 1 : i32
          %while3A_287 = arith.constant 0 : i32
          %while3A_288 = arith.constant 0 : i32
          %while3A_289 = arith.subi %div3A_285, %while3A_288 : i32
          %while3A_290 = arith.addi %while3A_288, %while3A_289 : i32
          %while3A_291 = arith.constant 1 : i32
          %while3A_292 = arith.divsi %while3A_289, %while3A_291 : i32
          %while3A_293 = arith.muli %while3A_292, %while3A_291 : i32
          %while3A_294 = arith.addi %while3A_288, %while3A_293 : i32
          %while3A_295 = arith.constant 1 : i32
          scf.for %while3A_297 = %while3A_288 to %while3A_294 step %while3A_295  : i32 {
            %mul3A_298 = arith.muli %while3A_297, %while3A_286 : i32
            %add3A_299 = arith.addi %while3A_287, %mul3A_298 : i32
            %mul3A_300 = arith.constant 64 : i32
            %mul3A_301 = arith.muli %add3A_299, %mul3A_300 : i32
            %add3A_302 = arith.addi %mul3A_250, %mul3A_301 : i32
            "tpu.region"() ({
              %run_scoped3A = tpu.sem_alloc : memref<!tpu.dma_semaphore, #tpu.memory_space<semaphore_mem>>
              %dma_start3A_349 = tpu.memref_slice %arg16[%add3A_302] : memref<160064xi32, #tpu.memory_space<vmem_shared>> -> memref<64xi32, #tpu.memory_space<vmem_shared>>
              %dma_start3A_350 = tpu.memref_slice %arg16[%add3A_302] : memref<160064xi32, #tpu.memory_space<vmem_shared>> -> memref<64xi32, #tpu.memory_space<vmem_shared>>
              tpu.enqueue_dma source(%dma_start3A_350 : memref<64xi32, #tpu.memory_space<vmem_shared>>) target(%arg14 : memref<64xi32, #tpu.memory_space<vmem>>) target_semaphore(%run_scoped3A : memref<!tpu.dma_semaphore, #tpu.memory_space<semaphore_mem>>)
              %dma_wait3A_351 = tpu.memref_slice %arg16[%add3A_302] : memref<160064xi32, #tpu.memory_space<vmem_shared>> -> memref<64xi32, #tpu.memory_space<vmem_shared>>
              %dma_wait3A_352 = tpu.memref_slice %arg16[%add3A_302] : memref<160064xi32, #tpu.memory_space<vmem_shared>> -> memref<64xi32, #tpu.memory_space<vmem_shared>>
              tpu.wait_dma2 semaphore(%run_scoped3A : memref<!tpu.dma_semaphore, #tpu.memory_space<semaphore_mem>>) src(%dma_wait3A_352 : memref<64xi32, #tpu.memory_space<vmem_shared>>) dst(%arg14 : memref<64xi32, #tpu.memory_space<vmem>>)
              tpu.yield
            }) : () -> ()
            %get3A_303 = arith.constant 0 : index
            %get3A_304 = tpu.vector_load %arg14[%get3A_303] {strides = array<i32>} : memref<64xi32, #tpu.memory_space<vmem>>, vector<16xi32>,
            %add3A_305 = arith.constant 0 : i32
            %add3A_306 = vector.broadcast %add3A_305 : i32 to vector<16xi32>
            %add3A_307 = arith.addi %add3A_306, %iota3A : vector<16xi32>
            %sub3A_308 = arith.subi %squeeze3A_218, %add3A_302 : i32
            %ge3A = vector.broadcast %sub3A_308 : i32 to vector<16xi32>
            %ge3A_309 = arith.cmpi sge, %add3A_307, %ge3A : vector<16xi32>
            %sub3A_310 = arith.subi %squeeze3A_224, %add3A_302 : i32
            %lt3A = vector.broadcast %sub3A_310 : i32 to vector<16xi32>
            %lt3A_311 = arith.cmpi slt, %add3A_307, %lt3A : vector<16xi32>
            %and3A_312 = arith.andi %ge3A_309, %lt3A_311 : vector<16xi1>
            tpu.vector_store_idx %arg12[%get3A_304], %broadcast_in_dim3A_10 masked %and3A_312 : memref<10240xf32, #tpu.memory_space<vmem>>[vector<16xi32>], vector<16xf32>, vector<16xi1>
            %get3A_313 = arith.constant 16 : index
            %get3A_314 = tpu.vector_load %arg14[%get3A_313] {strides = array<i32>} : memref<64xi32, #tpu.memory_space<vmem>>, vector<16xi32>,
            %add3A_315 = arith.constant 16 : i32
            %add3A_316 = vector.broadcast %add3A_315 : i32 to vector<16xi32>
            %add3A_317 = arith.addi %add3A_316, %iota3A : vector<16xi32>
            %sub3A_318 = arith.subi %squeeze3A_218, %add3A_302 : i32
            %ge3A_319 = vector.broadcast %sub3A_318 : i32 to vector<16xi32>
            %ge3A_320 = arith.cmpi sge, %add3A_317, %ge3A_319 : vector<16xi32>
            %sub3A_321 = arith.subi %squeeze3A_224, %add3A_302 : i32
            %lt3A_322 = vector.broadcast %sub3A_321 : i32 to vector<16xi32>
            %lt3A_323 = arith.cmpi slt, %add3A_317, %lt3A_322 : vector<16xi32>
            %and3A_324 = arith.andi %ge3A_320, %lt3A_323 : vector<16xi1>
            tpu.vector_store_idx %arg12[%get3A_314], %broadcast_in_dim3A_10 masked %and3A_324 : memref<10240xf32, #tpu.memory_space<vmem>>[vector<16xi32>], vector<16xf32>, vector<16xi1>
            %get3A_325 = arith.constant 32 : index
            %get3A_326 = tpu.vector_load %arg14[%get3A_325] {strides = array<i32>} : memref<64xi32, #tpu.memory_space<vmem>>, vector<16xi32>,
            %add3A_327 = arith.constant 32 : i32
            %add3A_328 = vector.broadcast %add3A_327 : i32 to vector<16xi32>
            %add3A_329 = arith.addi %add3A_328, %iota3A : vector<16xi32>
            %sub3A_330 = arith.subi %squeeze3A_218, %add3A_302 : i32
            %ge3A_331 = vector.broadcast %sub3A_330 : i32 to vector<16xi32>
            %ge3A_332 = arith.cmpi sge, %add3A_329, %ge3A_331 : vector<16xi32>
            %sub3A_333 = arith.subi %squeeze3A_224, %add3A_302 : i32
            %lt3A_334 = vector.broadcast %sub3A_333 : i32 to vector<16xi32>
            %lt3A_335 = arith.cmpi slt, %add3A_329, %lt3A_334 : vector<16xi32>
            %and3A_336 = arith.andi %ge3A_332, %lt3A_335 : vector<16xi1>
            tpu.vector_store_idx %arg12[%get3A_326], %broadcast_in_dim3A_10 masked %and3A_336 : memref<10240xf32, #tpu.memory_space<vmem>>[vector<16xi32>], vector<16xf32>, vector<16xi1>
            %get3A_337 = arith.constant 48 : index
            %get3A_338 = tpu.vector_load %arg14[%get3A_337] {strides = array<i32>} : memref<64xi32, #tpu.memory_space<vmem>>, vector<16xi32>,
            %add3A_339 = arith.constant 48 : i32
            %add3A_340 = vector.broadcast %add3A_339 : i32 to vector<16xi32>
            %add3A_341 = arith.addi %add3A_340, %iota3A : vector<16xi32>
            %sub3A_342 = arith.subi %squeeze3A_218, %add3A_302 : i32
            %ge3A_343 = vector.broadcast %sub3A_342 : i32 to vector<16xi32>
            %ge3A_344 = arith.cmpi sge, %add3A_341, %ge3A_343 : vector<16xi32>
            %sub3A_345 = arith.subi %squeeze3A_224, %add3A_302 : i32
            %lt3A_346 = vector.broadcast %sub3A_345 : i32 to vector<16xi32>
            %lt3A_347 = arith.cmpi slt, %add3A_341, %lt3A_346 : vector<16xi32>
            %and3A_348 = arith.andi %ge3A_344, %lt3A_347 : vector<16xi1>
            tpu.vector_store_idx %arg12[%get3A_338], %broadcast_in_dim3A_10 masked %and3A_348 : memref<10240xf32, #tpu.memory_space<vmem>>[vector<16xi32>], vector<16xf32>, vector<16xi1>
          }
          %while3A_296 = arith.constant 1 : i32
          scf.for %while3A_297 = %while3A_294 to %while3A_290 step %while3A_296  : i32 {
            %mul3A_298 = arith.muli %while3A_297, %while3A_286 : i32
            %add3A_299 = arith.addi %while3A_287, %mul3A_298 : i32
            %mul3A_300 = arith.constant 64 : i32
            %mul3A_301 = arith.muli %add3A_299, %mul3A_300 : i32
            %add3A_302 = arith.addi %mul3A_250, %mul3A_301 : i32
            "tpu.region"() ({
              %run_scoped3A = tpu.sem_alloc : memref<!tpu.dma_semaphore, #tpu.memory_space<semaphore_mem>>
              %dma_start3A_349 = tpu.memref_slice %arg16[%add3A_302] : memref<160064xi32, #tpu.memory_space<vmem_shared>> -> memref<64xi32, #tpu.memory_space<vmem_shared>>
              %dma_start3A_350 = tpu.memref_slice %arg16[%add3A_302] : memref<160064xi32, #tpu.memory_space<vmem_shared>> -> memref<64xi32, #tpu.memory_space<vmem_shared>>
              tpu.enqueue_dma source(%dma_start3A_350 : memref<64xi32, #tpu.memory_space<vmem_shared>>) target(%arg14 : memref<64xi32, #tpu.memory_space<vmem>>) target_semaphore(%run_scoped3A : memref<!tpu.dma_semaphore, #tpu.memory_space<semaphore_mem>>)
              %dma_wait3A_351 = tpu.memref_slice %arg16[%add3A_302] : memref<160064xi32, #tpu.memory_space<vmem_shared>> -> memref<64xi32, #tpu.memory_space<vmem_shared>>
              %dma_wait3A_352 = tpu.memref_slice %arg16[%add3A_302] : memref<160064xi32, #tpu.memory_space<vmem_shared>> -> memref<64xi32, #tpu.memory_space<vmem_shared>>
              tpu.wait_dma2 semaphore(%run_scoped3A : memref<!tpu.dma_semaphore, #tpu.memory_space<semaphore_mem>>) src(%dma_wait3A_352 : memref<64xi32, #tpu.memory_space<vmem_shared>>) dst(%arg14 : memref<64xi32, #tpu.memory_space<vmem>>)
              tpu.yield
            }) : () -> ()
            %get3A_303 = arith.constant 0 : index
            %get3A_304 = tpu.vector_load %arg14[%get3A_303] {strides = array<i32>} : memref<64xi32, #tpu.memory_space<vmem>>, vector<16xi32>,
            %add3A_305 = arith.constant 0 : i32
            %add3A_306 = vector.broadcast %add3A_305 : i32 to vector<16xi32>
            %add3A_307 = arith.addi %add3A_306, %iota3A : vector<16xi32>
            %sub3A_308 = arith.subi %squeeze3A_218, %add3A_302 : i32
            %ge3A = vector.broadcast %sub3A_308 : i32 to vector<16xi32>
            %ge3A_309 = arith.cmpi sge, %add3A_307, %ge3A : vector<16xi32>
            %sub3A_310 = arith.subi %squeeze3A_224, %add3A_302 : i32
            %lt3A = vector.broadcast %sub3A_310 : i32 to vector<16xi32>
            %lt3A_311 = arith.cmpi slt, %add3A_307, %lt3A : vector<16xi32>
            %and3A_312 = arith.andi %ge3A_309, %lt3A_311 : vector<16xi1>
            tpu.vector_store_idx %arg12[%get3A_304], %broadcast_in_dim3A_10 masked %and3A_312 : memref<10240xf32, #tpu.memory_space<vmem>>[vector<16xi32>], vector<16xf32>, vector<16xi1>
            %get3A_313 = arith.constant 16 : index
            %get3A_314 = tpu.vector_load %arg14[%get3A_313] {strides = array<i32>} : memref<64xi32, #tpu.memory_space<vmem>>, vector<16xi32>,
            %add3A_315 = arith.constant 16 : i32
            %add3A_316 = vector.broadcast %add3A_315 : i32 to vector<16xi32>
            %add3A_317 = arith.addi %add3A_316, %iota3A : vector<16xi32>
            %sub3A_318 = arith.subi %squeeze3A_218, %add3A_302 : i32
            %ge3A_319 = vector.broadcast %sub3A_318 : i32 to vector<16xi32>
            %ge3A_320 = arith.cmpi sge, %add3A_317, %ge3A_319 : vector<16xi32>
            %sub3A_321 = arith.subi %squeeze3A_224, %add3A_302 : i32
            %lt3A_322 = vector.broadcast %sub3A_321 : i32 to vector<16xi32>
            %lt3A_323 = arith.cmpi slt, %add3A_317, %lt3A_322 : vector<16xi32>
            %and3A_324 = arith.andi %ge3A_320, %lt3A_323 : vector<16xi1>
            tpu.vector_store_idx %arg12[%get3A_314], %broadcast_in_dim3A_10 masked %and3A_324 : memref<10240xf32, #tpu.memory_space<vmem>>[vector<16xi32>], vector<16xf32>, vector<16xi1>
            %get3A_325 = arith.constant 32 : index
            %get3A_326 = tpu.vector_load %arg14[%get3A_325] {strides = array<i32>} : memref<64xi32, #tpu.memory_space<vmem>>, vector<16xi32>,
            %add3A_327 = arith.constant 32 : i32
            %add3A_328 = vector.broadcast %add3A_327 : i32 to vector<16xi32>
            %add3A_329 = arith.addi %add3A_328, %iota3A : vector<16xi32>
            %sub3A_330 = arith.subi %squeeze3A_218, %add3A_302 : i32
            %ge3A_331 = vector.broadcast %sub3A_330 : i32 to vector<16xi32>
            %ge3A_332 = arith.cmpi sge, %add3A_329, %ge3A_331 : vector<16xi32>
            %sub3A_333 = arith.subi %squeeze3A_224, %add3A_302 : i32
            %lt3A_334 = vector.broadcast %sub3A_333 : i32 to vector<16xi32>
            %lt3A_335 = arith.cmpi slt, %add3A_329, %lt3A_334 : vector<16xi32>
            %and3A_336 = arith.andi %ge3A_332, %lt3A_335 : vector<16xi1>
            tpu.vector_store_idx %arg12[%get3A_326], %broadcast_in_dim3A_10 masked %and3A_336 : memref<10240xf32, #tpu.memory_space<vmem>>[vector<16xi32>], vector<16xf32>, vector<16xi1>
            %get3A_337 = arith.constant 48 : index
            %get3A_338 = tpu.vector_load %arg14[%get3A_337] {strides = array<i32>} : memref<64xi32, #tpu.memory_space<vmem>>, vector<16xi32>,
            %add3A_339 = arith.constant 48 : i32
            %add3A_340 = vector.broadcast %add3A_339 : i32 to vector<16xi32>
            %add3A_341 = arith.addi %add3A_340, %iota3A : vector<16xi32>
            %sub3A_342 = arith.subi %squeeze3A_218, %add3A_302 : i32
            %ge3A_343 = vector.broadcast %sub3A_342 : i32 to vector<16xi32>
            %ge3A_344 = arith.cmpi sge, %add3A_341, %ge3A_343 : vector<16xi32>
            %sub3A_345 = arith.subi %squeeze3A_224, %add3A_302 : i32
            %lt3A_346 = vector.broadcast %sub3A_345 : i32 to vector<16xi32>
            %lt3A_347 = arith.cmpi slt, %add3A_341, %lt3A_346 : vector<16xi32>
            %and3A_348 = arith.andi %ge3A_344, %lt3A_347 : vector<16xi1>
            tpu.vector_store_idx %arg12[%get3A_338], %broadcast_in_dim3A_10 masked %and3A_348 : memref<10240xf32, #tpu.memory_space<vmem>>[vector<16xi32>], vector<16xf32>, vector<16xi1>
          }
        }
        %while3A_207 = arith.constant 1 : i32
        scf.for %while3A_208 = %while3A_205 to %while3A_201 step %while3A_207  : i32 {
          %mul3A_209 = arith.muli %while3A_208, %while3A_198 : i32
          %add3A_210 = arith.addi %max3A_188, %mul3A_209 : i32
          %get3A_211 = arith.index_cast %add3A_210 : i32 to index
          %get3A_212 = tpu.vector_load %arg13[%get3A_211] {strides = array<i32>} : memref<80xi32, #tpu.memory_space<vmem>>, vector<16xi32>,
          %slice3A_213 = vector.extract_strided_slice %get3A_212 {offsets = [0], sizes = [1], strides = [1]} : vector<16xi32> to vector<1xi32>
          %squeeze3A_214 = vector.extract %slice3A_213[0] : i32 from vector<1xi32>
          %get3A_215 = arith.index_cast %squeeze3A_214 : i32 to index
          %get3A_216 = tpu.vector_load %arg10[%get3A_215] {strides = array<i32>} : memref<10016xi32, #tpu.memory_space<vmem>>, vector<16xi32>,
          %slice3A_217 = vector.extract_strided_slice %get3A_216 {offsets = [0], sizes = [1], strides = [1]} : vector<16xi32> to vector<1xi32>
          %squeeze3A_218 = vector.extract %slice3A_217[0] : i32 from vector<1xi32>
          %add3A_219 = arith.constant 1 : i32
          %add3A_220 = arith.addi %squeeze3A_214, %add3A_219 : i32
          %get3A_221 = arith.index_cast %add3A_220 : i32 to index
          %get3A_222 = tpu.vector_load %arg10[%get3A_221] {strides = array<i32>} : memref<10016xi32, #tpu.memory_space<vmem>>, vector<16xi32>,
          %slice3A_223 = vector.extract_strided_slice %get3A_222 {offsets = [0], sizes = [1], strides = [1]} : vector<16xi32> to vector<1xi32>
          %squeeze3A_224 = vector.extract %slice3A_223[0] : i32 from vector<1xi32>
          %jit3A_225 = arith.constant 8 : i32
          %div3A_226 = arith.divsi %squeeze3A_218, %jit3A_225 : i32
          %sign3A_227 = arith.constant 0 : i32
          %sign3A_228 = arith.cmpi sgt, %squeeze3A_218, %sign3A_227 : i32
          %sign3A_229 = arith.extui %sign3A_228 : i1 to i32
          %sign3A_230 = arith.constant 0 : i32
          %sign3A_231 = arith.cmpi slt, %squeeze3A_218, %sign3A_230 : i32
          %sign3A_232 = arith.extui %sign3A_231 : i1 to i32
          %sign3A_233 = arith.subi %sign3A_229, %sign3A_232 : i32
          %sign3A_234 = arith.constant 0 : i32
          %sign3A_235 = arith.cmpi sgt, %jit3A_225, %sign3A_234 : i32
          %sign3A_236 = arith.extui %sign3A_235 : i1 to i32
          %sign3A_237 = arith.constant 0 : i32
          %sign3A_238 = arith.cmpi slt, %jit3A_225, %sign3A_237 : i32
          %sign3A_239 = arith.extui %sign3A_238 : i1 to i32
          %sign3A_240 = arith.subi %sign3A_236, %sign3A_239 : i32
          %ne3A_241 = arith.cmpi ne, %sign3A_233, %sign3A_240 : i32
          %rem3A_242 = arith.remsi %squeeze3A_218, %jit3A_225 : i32
          %ne3A_243 = arith.constant 0 : i32
          %ne3A_244 = arith.cmpi ne, %rem3A_242, %ne3A_243 : i32
          %and3A_245 = arith.andi %ne3A_241, %ne3A_244 : i1
          %sub3A_246 = arith.constant 1 : i32
          %sub3A_247 = arith.subi %div3A_226, %sub3A_246 : i32
          %select_n3A_248 = arith.select %and3A_245, %sub3A_247, %div3A_226 : i32
          %mul3A_249 = arith.constant 8 : i32
          %mul3A_250 = arith.muli %select_n3A_248, %mul3A_249 : i32
          %sub3A_251 = arith.subi %squeeze3A_224, %mul3A_250 : i32
          %add3A_252 = arith.constant 63 : i32
          %add3A_253 = arith.addi %sub3A_251, %add3A_252 : i32
          %jit3A_254 = arith.constant 64 : i32
          %div3A_255 = arith.divsi %add3A_253, %jit3A_254 : i32
          %sign3A_256 = arith.constant 0 : i32
          %sign3A_257 = arith.cmpi sgt, %add3A_253, %sign3A_256 : i32
          %sign3A_258 = arith.extui %sign3A_257 : i1 to i32
          %sign3A_259 = arith.constant 0 : i32
          %sign3A_260 = arith.cmpi slt, %add3A_253, %sign3A_259 : i32
          %sign3A_261 = arith.extui %sign3A_260 : i1 to i32
          %sign3A_262 = arith.subi %sign3A_258, %sign3A_261 : i32
          %sign3A_263 = arith.constant 0 : i32
          %sign3A_264 = arith.cmpi sgt, %jit3A_254, %sign3A_263 : i32
          %sign3A_265 = arith.extui %sign3A_264 : i1 to i32
          %sign3A_266 = arith.constant 0 : i32
          %sign3A_267 = arith.cmpi slt, %jit3A_254, %sign3A_266 : i32
          %sign3A_268 = arith.extui %sign3A_267 : i1 to i32
          %sign3A_269 = arith.subi %sign3A_265, %sign3A_268 : i32
          %ne3A_270 = arith.cmpi ne, %sign3A_262, %sign3A_269 : i32
          %rem3A_271 = arith.remsi %add3A_253, %jit3A_254 : i32
          %ne3A_272 = arith.constant 0 : i32
          %ne3A_273 = arith.cmpi ne, %rem3A_271, %ne3A_272 : i32
          %and3A_274 = arith.andi %ne3A_270, %ne3A_273 : i1
          %sub3A_275 = arith.constant 1 : i32
          %sub3A_276 = arith.subi %div3A_255, %sub3A_275 : i32
          %select_n3A_277 = arith.select %and3A_274, %sub3A_276, %div3A_255 : i32
          %sub3A_278 = arith.constant 0 : i32
          %sub3A_279 = arith.subi %select_n3A_277, %sub3A_278 : i32
          %sub3A_280 = arith.constant 1 : i32
          %sub3A_281 = arith.constant 1 : i32
          %sub3A_282 = arith.subi %sub3A_280, %sub3A_281 : i32
          %add3A_283 = arith.addi %sub3A_279, %sub3A_282 : i32
          %div3A_284 = arith.constant 1 : i32
          %div3A_285 = arith.divsi %add3A_283, %div3A_284 : i32
          %while3A_286 = arith.constant 1 : i32
          %while3A_287 = arith.constant 0 : i32
          %while3A_288 = arith.constant 0 : i32
          %while3A_289 = arith.subi %div3A_285, %while3A_288 : i32
          %while3A_290 = arith.addi %while3A_288, %while3A_289 : i32
          %while3A_291 = arith.constant 1 : i32
          %while3A_292 = arith.divsi %while3A_289, %while3A_291 : i32
          %while3A_293 = arith.muli %while3A_292, %while3A_291 : i32
          %while3A_294 = arith.addi %while3A_288, %while3A_293 : i32
          %while3A_295 = arith.constant 1 : i32
          scf.for %while3A_297 = %while3A_288 to %while3A_294 step %while3A_295  : i32 {
            %mul3A_298 = arith.muli %while3A_297, %while3A_286 : i32
            %add3A_299 = arith.addi %while3A_287, %mul3A_298 : i32
            %mul3A_300 = arith.constant 64 : i32
            %mul3A_301 = arith.muli %add3A_299, %mul3A_300 : i32
            %add3A_302 = arith.addi %mul3A_250, %mul3A_301 : i32
            "tpu.region"() ({
              %run_scoped3A = tpu.sem_alloc : memref<!tpu.dma_semaphore, #tpu.memory_space<semaphore_mem>>
              %dma_start3A_349 = tpu.memref_slice %arg16[%add3A_302] : memref<160064xi32, #tpu.memory_space<vmem_shared>> -> memref<64xi32, #tpu.memory_space<vmem_shared>>
              %dma_start3A_350 = tpu.memref_slice %arg16[%add3A_302] : memref<160064xi32, #tpu.memory_space<vmem_shared>> -> memref<64xi32, #tpu.memory_space<vmem_shared>>
              tpu.enqueue_dma source(%dma_start3A_350 : memref<64xi32, #tpu.memory_space<vmem_shared>>) target(%arg14 : memref<64xi32, #tpu.memory_space<vmem>>) target_semaphore(%run_scoped3A : memref<!tpu.dma_semaphore, #tpu.memory_space<semaphore_mem>>)
              %dma_wait3A_351 = tpu.memref_slice %arg16[%add3A_302] : memref<160064xi32, #tpu.memory_space<vmem_shared>> -> memref<64xi32, #tpu.memory_space<vmem_shared>>
              %dma_wait3A_352 = tpu.memref_slice %arg16[%add3A_302] : memref<160064xi32, #tpu.memory_space<vmem_shared>> -> memref<64xi32, #tpu.memory_space<vmem_shared>>
              tpu.wait_dma2 semaphore(%run_scoped3A : memref<!tpu.dma_semaphore, #tpu.memory_space<semaphore_mem>>) src(%dma_wait3A_352 : memref<64xi32, #tpu.memory_space<vmem_shared>>) dst(%arg14 : memref<64xi32, #tpu.memory_space<vmem>>)
              tpu.yield
            }) : () -> ()
            %get3A_303 = arith.constant 0 : index
            %get3A_304 = tpu.vector_load %arg14[%get3A_303] {strides = array<i32>} : memref<64xi32, #tpu.memory_space<vmem>>, vector<16xi32>,
            %add3A_305 = arith.constant 0 : i32
            %add3A_306 = vector.broadcast %add3A_305 : i32 to vector<16xi32>
            %add3A_307 = arith.addi %add3A_306, %iota3A : vector<16xi32>
            %sub3A_308 = arith.subi %squeeze3A_218, %add3A_302 : i32
            %ge3A = vector.broadcast %sub3A_308 : i32 to vector<16xi32>
            %ge3A_309 = arith.cmpi sge, %add3A_307, %ge3A : vector<16xi32>
            %sub3A_310 = arith.subi %squeeze3A_224, %add3A_302 : i32
            %lt3A = vector.broadcast %sub3A_310 : i32 to vector<16xi32>
            %lt3A_311 = arith.cmpi slt, %add3A_307, %lt3A : vector<16xi32>
            %and3A_312 = arith.andi %ge3A_309, %lt3A_311 : vector<16xi1>
            tpu.vector_store_idx %arg12[%get3A_304], %broadcast_in_dim3A_10 masked %and3A_312 : memref<10240xf32, #tpu.memory_space<vmem>>[vector<16xi32>], vector<16xf32>, vector<16xi1>
            %get3A_313 = arith.constant 16 : index
            %get3A_314 = tpu.vector_load %arg14[%get3A_313] {strides = array<i32>} : memref<64xi32, #tpu.memory_space<vmem>>, vector<16xi32>,
            %add3A_315 = arith.constant 16 : i32
            %add3A_316 = vector.broadcast %add3A_315 : i32 to vector<16xi32>
            %add3A_317 = arith.addi %add3A_316, %iota3A : vector<16xi32>
            %sub3A_318 = arith.subi %squeeze3A_218, %add3A_302 : i32
            %ge3A_319 = vector.broadcast %sub3A_318 : i32 to vector<16xi32>
            %ge3A_320 = arith.cmpi sge, %add3A_317, %ge3A_319 : vector<16xi32>
            %sub3A_321 = arith.subi %squeeze3A_224, %add3A_302 : i32
            %lt3A_322 = vector.broadcast %sub3A_321 : i32 to vector<16xi32>
            %lt3A_323 = arith.cmpi slt, %add3A_317, %lt3A_322 : vector<16xi32>
            %and3A_324 = arith.andi %ge3A_320, %lt3A_323 : vector<16xi1>
            tpu.vector_store_idx %arg12[%get3A_314], %broadcast_in_dim3A_10 masked %and3A_324 : memref<10240xf32, #tpu.memory_space<vmem>>[vector<16xi32>], vector<16xf32>, vector<16xi1>
            %get3A_325 = arith.constant 32 : index
            %get3A_326 = tpu.vector_load %arg14[%get3A_325] {strides = array<i32>} : memref<64xi32, #tpu.memory_space<vmem>>, vector<16xi32>,
            %add3A_327 = arith.constant 32 : i32
            %add3A_328 = vector.broadcast %add3A_327 : i32 to vector<16xi32>
            %add3A_329 = arith.addi %add3A_328, %iota3A : vector<16xi32>
            %sub3A_330 = arith.subi %squeeze3A_218, %add3A_302 : i32
            %ge3A_331 = vector.broadcast %sub3A_330 : i32 to vector<16xi32>
            %ge3A_332 = arith.cmpi sge, %add3A_329, %ge3A_331 : vector<16xi32>
            %sub3A_333 = arith.subi %squeeze3A_224, %add3A_302 : i32
            %lt3A_334 = vector.broadcast %sub3A_333 : i32 to vector<16xi32>
            %lt3A_335 = arith.cmpi slt, %add3A_329, %lt3A_334 : vector<16xi32>
            %and3A_336 = arith.andi %ge3A_332, %lt3A_335 : vector<16xi1>
            tpu.vector_store_idx %arg12[%get3A_326], %broadcast_in_dim3A_10 masked %and3A_336 : memref<10240xf32, #tpu.memory_space<vmem>>[vector<16xi32>], vector<16xf32>, vector<16xi1>
            %get3A_337 = arith.constant 48 : index
            %get3A_338 = tpu.vector_load %arg14[%get3A_337] {strides = array<i32>} : memref<64xi32, #tpu.memory_space<vmem>>, vector<16xi32>,
            %add3A_339 = arith.constant 48 : i32
            %add3A_340 = vector.broadcast %add3A_339 : i32 to vector<16xi32>
            %add3A_341 = arith.addi %add3A_340, %iota3A : vector<16xi32>
            %sub3A_342 = arith.subi %squeeze3A_218, %add3A_302 : i32
            %ge3A_343 = vector.broadcast %sub3A_342 : i32 to vector<16xi32>
            %ge3A_344 = arith.cmpi sge, %add3A_341, %ge3A_343 : vector<16xi32>
            %sub3A_345 = arith.subi %squeeze3A_224, %add3A_302 : i32
            %lt3A_346 = vector.broadcast %sub3A_345 : i32 to vector<16xi32>
            %lt3A_347 = arith.cmpi slt, %add3A_341, %lt3A_346 : vector<16xi32>
            %and3A_348 = arith.andi %ge3A_344, %lt3A_347 : vector<16xi1>
            tpu.vector_store_idx %arg12[%get3A_338], %broadcast_in_dim3A_10 masked %and3A_348 : memref<10240xf32, #tpu.memory_space<vmem>>[vector<16xi32>], vector<16xf32>, vector<16xi1>
          }
          %while3A_296 = arith.constant 1 : i32
          scf.for %while3A_297 = %while3A_294 to %while3A_290 step %while3A_296  : i32 {
            %mul3A_298 = arith.muli %while3A_297, %while3A_286 : i32
            %add3A_299 = arith.addi %while3A_287, %mul3A_298 : i32
            %mul3A_300 = arith.constant 64 : i32
            %mul3A_301 = arith.muli %add3A_299, %mul3A_300 : i32
            %add3A_302 = arith.addi %mul3A_250, %mul3A_301 : i32
            "tpu.region"() ({
              %run_scoped3A = tpu.sem_alloc : memref<!tpu.dma_semaphore, #tpu.memory_space<semaphore_mem>>
              %dma_start3A_349 = tpu.memref_slice %arg16[%add3A_302] : memref<160064xi32, #tpu.memory_space<vmem_shared>> -> memref<64xi32, #tpu.memory_space<vmem_shared>>
              %dma_start3A_350 = tpu.memref_slice %arg16[%add3A_302] : memref<160064xi32, #tpu.memory_space<vmem_shared>> -> memref<64xi32, #tpu.memory_space<vmem_shared>>
              tpu.enqueue_dma source(%dma_start3A_350 : memref<64xi32, #tpu.memory_space<vmem_shared>>) target(%arg14 : memref<64xi32, #tpu.memory_space<vmem>>) target_semaphore(%run_scoped3A : memref<!tpu.dma_semaphore, #tpu.memory_space<semaphore_mem>>)
              %dma_wait3A_351 = tpu.memref_slice %arg16[%add3A_302] : memref<160064xi32, #tpu.memory_space<vmem_shared>> -> memref<64xi32, #tpu.memory_space<vmem_shared>>
              %dma_wait3A_352 = tpu.memref_slice %arg16[%add3A_302] : memref<160064xi32, #tpu.memory_space<vmem_shared>> -> memref<64xi32, #tpu.memory_space<vmem_shared>>
              tpu.wait_dma2 semaphore(%run_scoped3A : memref<!tpu.dma_semaphore, #tpu.memory_space<semaphore_mem>>) src(%dma_wait3A_352 : memref<64xi32, #tpu.memory_space<vmem_shared>>) dst(%arg14 : memref<64xi32, #tpu.memory_space<vmem>>)
              tpu.yield
            }) : () -> ()
            %get3A_303 = arith.constant 0 : index
            %get3A_304 = tpu.vector_load %arg14[%get3A_303] {strides = array<i32>} : memref<64xi32, #tpu.memory_space<vmem>>, vector<16xi32>,
            %add3A_305 = arith.constant 0 : i32
            %add3A_306 = vector.broadcast %add3A_305 : i32 to vector<16xi32>
            %add3A_307 = arith.addi %add3A_306, %iota3A : vector<16xi32>
            %sub3A_308 = arith.subi %squeeze3A_218, %add3A_302 : i32
            %ge3A = vector.broadcast %sub3A_308 : i32 to vector<16xi32>
            %ge3A_309 = arith.cmpi sge, %add3A_307, %ge3A : vector<16xi32>
            %sub3A_310 = arith.subi %squeeze3A_224, %add3A_302 : i32
            %lt3A = vector.broadcast %sub3A_310 : i32 to vector<16xi32>
            %lt3A_311 = arith.cmpi slt, %add3A_307, %lt3A : vector<16xi32>
            %and3A_312 = arith.andi %ge3A_309, %lt3A_311 : vector<16xi1>
            tpu.vector_store_idx %arg12[%get3A_304], %broadcast_in_dim3A_10 masked %and3A_312 : memref<10240xf32, #tpu.memory_space<vmem>>[vector<16xi32>], vector<16xf32>, vector<16xi1>
            %get3A_313 = arith.constant 16 : index
            %get3A_314 = tpu.vector_load %arg14[%get3A_313] {strides = array<i32>} : memref<64xi32, #tpu.memory_space<vmem>>, vector<16xi32>,
            %add3A_315 = arith.constant 16 : i32
            %add3A_316 = vector.broadcast %add3A_315 : i32 to vector<16xi32>
            %add3A_317 = arith.addi %add3A_316, %iota3A : vector<16xi32>
            %sub3A_318 = arith.subi %squeeze3A_218, %add3A_302 : i32
            %ge3A_319 = vector.broadcast %sub3A_318 : i32 to vector<16xi32>
            %ge3A_320 = arith.cmpi sge, %add3A_317, %ge3A_319 : vector<16xi32>
            %sub3A_321 = arith.subi %squeeze3A_224, %add3A_302 : i32
            %lt3A_322 = vector.broadcast %sub3A_321 : i32 to vector<16xi32>
            %lt3A_323 = arith.cmpi slt, %add3A_317, %lt3A_322 : vector<16xi32>
            %and3A_324 = arith.andi %ge3A_320, %lt3A_323 : vector<16xi1>
            tpu.vector_store_idx %arg12[%get3A_314], %broadcast_in_dim3A_10 masked %and3A_324 : memref<10240xf32, #tpu.memory_space<vmem>>[vector<16xi32>], vector<16xf32>, vector<16xi1>
            %get3A_325 = arith.constant 32 : index
            %get3A_326 = tpu.vector_load %arg14[%get3A_325] {strides = array<i32>} : memref<64xi32, #tpu.memory_space<vmem>>, vector<16xi32>,
            %add3A_327 = arith.constant 32 : i32
            %add3A_328 = vector.broadcast %add3A_327 : i32 to vector<16xi32>
            %add3A_329 = arith.addi %add3A_328, %iota3A : vector<16xi32>
            %sub3A_330 = arith.subi %squeeze3A_218, %add3A_302 : i32
            %ge3A_331 = vector.broadcast %sub3A_330 : i32 to vector<16xi32>
            %ge3A_332 = arith.cmpi sge, %add3A_329, %ge3A_331 : vector<16xi32>
            %sub3A_333 = arith.subi %squeeze3A_224, %add3A_302 : i32
            %lt3A_334 = vector.broadcast %sub3A_333 : i32 to vector<16xi32>
            %lt3A_335 = arith.cmpi slt, %add3A_329, %lt3A_334 : vector<16xi32>
            %and3A_336 = arith.andi %ge3A_332, %lt3A_335 : vector<16xi1>
            tpu.vector_store_idx %arg12[%get3A_326], %broadcast_in_dim3A_10 masked %and3A_336 : memref<10240xf32, #tpu.memory_space<vmem>>[vector<16xi32>], vector<16xf32>, vector<16xi1>
            %get3A_337 = arith.constant 48 : index
            %get3A_338 = tpu.vector_load %arg14[%get3A_337] {strides = array<i32>} : memref<64xi32, #tpu.memory_space<vmem>>, vector<16xi32>,
            %add3A_339 = arith.constant 48 : i32
            %add3A_340 = vector.broadcast %add3A_339 : i32 to vector<16xi32>
            %add3A_341 = arith.addi %add3A_340, %iota3A : vector<16xi32>
            %sub3A_342 = arith.subi %squeeze3A_218, %add3A_302 : i32
            %ge3A_343 = vector.broadcast %sub3A_342 : i32 to vector<16xi32>
            %ge3A_344 = arith.cmpi sge, %add3A_341, %ge3A_343 : vector<16xi32>
            %sub3A_345 = arith.subi %squeeze3A_224, %add3A_302 : i32
            %lt3A_346 = vector.broadcast %sub3A_345 : i32 to vector<16xi32>
            %lt3A_347 = arith.cmpi slt, %add3A_341, %lt3A_346 : vector<16xi32>
            %and3A_348 = arith.andi %ge3A_344, %lt3A_347 : vector<16xi1>
            tpu.vector_store_idx %arg12[%get3A_338], %broadcast_in_dim3A_10 masked %and3A_348 : memref<10240xf32, #tpu.memory_space<vmem>>[vector<16xi32>], vector<16xf32>, vector<16xi1>
          }
        }
      }
      %while3A_179 = arith.constant 1 : i32
      scf.for %while3A_181 = %while3A_177 to %while3A_173 step %while3A_179  : i32 {
        %mul3A_182 = arith.muli %while3A_181, %while3A_169 : i32
        %add3A_183 = arith.addi %while3A_170, %mul3A_182 : i32
        %mul3A_184 = arith.constant 64 : i32
        %mul3A_185 = arith.muli %add3A_183, %mul3A_184 : i32
        %add3A_186 = arith.addi %mul3A_133, %mul3A_185 : i32
        "tpu.region"() ({
          %run_scoped3A = tpu.sem_alloc : memref<!tpu.dma_semaphore, #tpu.memory_space<semaphore_mem>>
          %dma_start3A_208 = arith.constant 0 : i32
          %dma_start3A_209 = tpu.memref_slice %arg13[%dma_start3A_208] : memref<80xi32, #tpu.memory_space<vmem>> -> memref<64xi32, #tpu.memory_space<vmem>>
          %dma_start3A_210 = tpu.memref_slice %arg16[%add3A_186] : memref<160064xi32, #tpu.memory_space<vmem_shared>> -> memref<64xi32, #tpu.memory_space<vmem_shared>>
          %dma_start3A_211 = arith.constant 0 : i32
          %dma_start3A_212 = tpu.memref_slice %arg13[%dma_start3A_211] : memref<80xi32, #tpu.memory_space<vmem>> -> memref<64xi32, #tpu.memory_space<vmem>>
          %dma_start3A_213 = tpu.memref_slice %arg16[%add3A_186] : memref<160064xi32, #tpu.memory_space<vmem_shared>> -> memref<64xi32, #tpu.memory_space<vmem_shared>>
          tpu.enqueue_dma source(%dma_start3A_213 : memref<64xi32, #tpu.memory_space<vmem_shared>>) target(%dma_start3A_212 : memref<64xi32, #tpu.memory_space<vmem>>) target_semaphore(%run_scoped3A : memref<!tpu.dma_semaphore, #tpu.memory_space<semaphore_mem>>)
          %dma_wait3A_214 = arith.constant 0 : i32
          %dma_wait3A_215 = tpu.memref_slice %arg13[%dma_wait3A_214] : memref<80xi32, #tpu.memory_space<vmem>> -> memref<64xi32, #tpu.memory_space<vmem>>
          %dma_wait3A_216 = tpu.memref_slice %arg16[%add3A_186] : memref<160064xi32, #tpu.memory_space<vmem_shared>> -> memref<64xi32, #tpu.memory_space<vmem_shared>>
          %dma_wait3A_217 = arith.constant 0 : i32
          %dma_wait3A_218 = tpu.memref_slice %arg13[%dma_wait3A_217] : memref<80xi32, #tpu.memory_space<vmem>> -> memref<64xi32, #tpu.memory_space<vmem>>
          %dma_wait3A_219 = tpu.memref_slice %arg16[%add3A_186] : memref<160064xi32, #tpu.memory_space<vmem_shared>> -> memref<64xi32, #tpu.memory_space<vmem_shared>>
          tpu.wait_dma2 semaphore(%run_scoped3A : memref<!tpu.dma_semaphore, #tpu.memory_space<semaphore_mem>>) src(%dma_wait3A_219 : memref<64xi32, #tpu.memory_space<vmem_shared>>) dst(%dma_wait3A_218 : memref<64xi32, #tpu.memory_space<vmem>>)
          tpu.yield
        }) : () -> ()
        %sub3A_187 = arith.subi %squeeze3A_101, %add3A_186 : i32
        %max3A = arith.constant 0 : i32
        %max3A_188 = arith.maxsi %sub3A_187, %max3A : i32
        %sub3A_189 = arith.subi %squeeze3A_107, %add3A_186 : i32
        %min3A = arith.constant 64 : i32
        %min3A_190 = arith.minsi %sub3A_189, %min3A : i32
        %sub3A_191 = arith.subi %min3A_190, %max3A_188 : i32
        %sub3A_192 = arith.constant 1 : i32
        %sub3A_193 = arith.constant 1 : i32
        %sub3A_194 = arith.subi %sub3A_192, %sub3A_193 : i32
        %add3A_195 = arith.addi %sub3A_191, %sub3A_194 : i32
        %div3A_196 = arith.constant 1 : i32
        %div3A_197 = arith.divsi %add3A_195, %div3A_196 : i32
        %while3A_198 = arith.constant 1 : i32
        %while3A_199 = arith.constant 0 : i32
        %while3A_200 = arith.subi %div3A_197, %while3A_199 : i32
        %while3A_201 = arith.addi %while3A_199, %while3A_200 : i32
        %while3A_202 = arith.constant 1 : i32
        %while3A_203 = arith.divsi %while3A_200, %while3A_202 : i32
        %while3A_204 = arith.muli %while3A_203, %while3A_202 : i32
        %while3A_205 = arith.addi %while3A_199, %while3A_204 : i32
        %while3A_206 = arith.constant 1 : i32
        scf.for %while3A_208 = %while3A_199 to %while3A_205 step %while3A_206  : i32 {
          %mul3A_209 = arith.muli %while3A_208, %while3A_198 : i32
          %add3A_210 = arith.addi %max3A_188, %mul3A_209 : i32
          %get3A_211 = arith.index_cast %add3A_210 : i32 to index
          %get3A_212 = tpu.vector_load %arg13[%get3A_211] {strides = array<i32>} : memref<80xi32, #tpu.memory_space<vmem>>, vector<16xi32>,
          %slice3A_213 = vector.extract_strided_slice %get3A_212 {offsets = [0], sizes = [1], strides = [1]} : vector<16xi32> to vector<1xi32>
          %squeeze3A_214 = vector.extract %slice3A_213[0] : i32 from vector<1xi32>
          %get3A_215 = arith.index_cast %squeeze3A_214 : i32 to index
          %get3A_216 = tpu.vector_load %arg10[%get3A_215] {strides = array<i32>} : memref<10016xi32, #tpu.memory_space<vmem>>, vector<16xi32>,
          %slice3A_217 = vector.extract_strided_slice %get3A_216 {offsets = [0], sizes = [1], strides = [1]} : vector<16xi32> to vector<1xi32>
          %squeeze3A_218 = vector.extract %slice3A_217[0] : i32 from vector<1xi32>
          %add3A_219 = arith.constant 1 : i32
          %add3A_220 = arith.addi %squeeze3A_214, %add3A_219 : i32
          %get3A_221 = arith.index_cast %add3A_220 : i32 to index
          %get3A_222 = tpu.vector_load %arg10[%get3A_221] {strides = array<i32>} : memref<10016xi32, #tpu.memory_space<vmem>>, vector<16xi32>,
          %slice3A_223 = vector.extract_strided_slice %get3A_222 {offsets = [0], sizes = [1], strides = [1]} : vector<16xi32> to vector<1xi32>
          %squeeze3A_224 = vector.extract %slice3A_223[0] : i32 from vector<1xi32>
          %jit3A_225 = arith.constant 8 : i32
          %div3A_226 = arith.divsi %squeeze3A_218, %jit3A_225 : i32
          %sign3A_227 = arith.constant 0 : i32
          %sign3A_228 = arith.cmpi sgt, %squeeze3A_218, %sign3A_227 : i32
          %sign3A_229 = arith.extui %sign3A_228 : i1 to i32
          %sign3A_230 = arith.constant 0 : i32
          %sign3A_231 = arith.cmpi slt, %squeeze3A_218, %sign3A_230 : i32
          %sign3A_232 = arith.extui %sign3A_231 : i1 to i32
          %sign3A_233 = arith.subi %sign3A_229, %sign3A_232 : i32
          %sign3A_234 = arith.constant 0 : i32
          %sign3A_235 = arith.cmpi sgt, %jit3A_225, %sign3A_234 : i32
          %sign3A_236 = arith.extui %sign3A_235 : i1 to i32
          %sign3A_237 = arith.constant 0 : i32
          %sign3A_238 = arith.cmpi slt, %jit3A_225, %sign3A_237 : i32
          %sign3A_239 = arith.extui %sign3A_238 : i1 to i32
          %sign3A_240 = arith.subi %sign3A_236, %sign3A_239 : i32
          %ne3A_241 = arith.cmpi ne, %sign3A_233, %sign3A_240 : i32
          %rem3A_242 = arith.remsi %squeeze3A_218, %jit3A_225 : i32
          %ne3A_243 = arith.constant 0 : i32
          %ne3A_244 = arith.cmpi ne, %rem3A_242, %ne3A_243 : i32
          %and3A_245 = arith.andi %ne3A_241, %ne3A_244 : i1
          %sub3A_246 = arith.constant 1 : i32
          %sub3A_247 = arith.subi %div3A_226, %sub3A_246 : i32
          %select_n3A_248 = arith.select %and3A_245, %sub3A_247, %div3A_226 : i32
          %mul3A_249 = arith.constant 8 : i32
          %mul3A_250 = arith.muli %select_n3A_248, %mul3A_249 : i32
          %sub3A_251 = arith.subi %squeeze3A_224, %mul3A_250 : i32
          %add3A_252 = arith.constant 63 : i32
          %add3A_253 = arith.addi %sub3A_251, %add3A_252 : i32
          %jit3A_254 = arith.constant 64 : i32
          %div3A_255 = arith.divsi %add3A_253, %jit3A_254 : i32
          %sign3A_256 = arith.constant 0 : i32
          %sign3A_257 = arith.cmpi sgt, %add3A_253, %sign3A_256 : i32
          %sign3A_258 = arith.extui %sign3A_257 : i1 to i32
          %sign3A_259 = arith.constant 0 : i32
          %sign3A_260 = arith.cmpi slt, %add3A_253, %sign3A_259 : i32
          %sign3A_261 = arith.extui %sign3A_260 : i1 to i32
          %sign3A_262 = arith.subi %sign3A_258, %sign3A_261 : i32
          %sign3A_263 = arith.constant 0 : i32
          %sign3A_264 = arith.cmpi sgt, %jit3A_254, %sign3A_263 : i32
          %sign3A_265 = arith.extui %sign3A_264 : i1 to i32
          %sign3A_266 = arith.constant 0 : i32
          %sign3A_267 = arith.cmpi slt, %jit3A_254, %sign3A_266 : i32
          %sign3A_268 = arith.extui %sign3A_267 : i1 to i32
          %sign3A_269 = arith.subi %sign3A_265, %sign3A_268 : i32
          %ne3A_270 = arith.cmpi ne, %sign3A_262, %sign3A_269 : i32
          %rem3A_271 = arith.remsi %add3A_253, %jit3A_254 : i32
          %ne3A_272 = arith.constant 0 : i32
          %ne3A_273 = arith.cmpi ne, %rem3A_271, %ne3A_272 : i32
          %and3A_274 = arith.andi %ne3A_270, %ne3A_273 : i1
          %sub3A_275 = arith.constant 1 : i32
          %sub3A_276 = arith.subi %div3A_255, %sub3A_275 : i32
          %select_n3A_277 = arith.select %and3A_274, %sub3A_276, %div3A_255 : i32
          %sub3A_278 = arith.constant 0 : i32
          %sub3A_279 = arith.subi %select_n3A_277, %sub3A_278 : i32
          %sub3A_280 = arith.constant 1 : i32
          %sub3A_281 = arith.constant 1 : i32
          %sub3A_282 = arith.subi %sub3A_280, %sub3A_281 : i32
          %add3A_283 = arith.addi %sub3A_279, %sub3A_282 : i32
          %div3A_284 = arith.constant 1 : i32
          %div3A_285 = arith.divsi %add3A_283, %div3A_284 : i32
          %while3A_286 = arith.constant 1 : i32
          %while3A_287 = arith.constant 0 : i32
          %while3A_288 = arith.constant 0 : i32
          %while3A_289 = arith.subi %div3A_285, %while3A_288 : i32
          %while3A_290 = arith.addi %while3A_288, %while3A_289 : i32
          %while3A_291 = arith.constant 1 : i32
          %while3A_292 = arith.divsi %while3A_289, %while3A_291 : i32
          %while3A_293 = arith.muli %while3A_292, %while3A_291 : i32
          %while3A_294 = arith.addi %while3A_288, %while3A_293 : i32
          %while3A_295 = arith.constant 1 : i32
          scf.for %while3A_297 = %while3A_288 to %while3A_294 step %while3A_295  : i32 {
            %mul3A_298 = arith.muli %while3A_297, %while3A_286 : i32
            %add3A_299 = arith.addi %while3A_287, %mul3A_298 : i32
            %mul3A_300 = arith.constant 64 : i32
            %mul3A_301 = arith.muli %add3A_299, %mul3A_300 : i32
            %add3A_302 = arith.addi %mul3A_250, %mul3A_301 : i32
            "tpu.region"() ({
              %run_scoped3A = tpu.sem_alloc : memref<!tpu.dma_semaphore, #tpu.memory_space<semaphore_mem>>
              %dma_start3A_349 = tpu.memref_slice %arg16[%add3A_302] : memref<160064xi32, #tpu.memory_space<vmem_shared>> -> memref<64xi32, #tpu.memory_space<vmem_shared>>
              %dma_start3A_350 = tpu.memref_slice %arg16[%add3A_302] : memref<160064xi32, #tpu.memory_space<vmem_shared>> -> memref<64xi32, #tpu.memory_space<vmem_shared>>
              tpu.enqueue_dma source(%dma_start3A_350 : memref<64xi32, #tpu.memory_space<vmem_shared>>) target(%arg14 : memref<64xi32, #tpu.memory_space<vmem>>) target_semaphore(%run_scoped3A : memref<!tpu.dma_semaphore, #tpu.memory_space<semaphore_mem>>)
              %dma_wait3A_351 = tpu.memref_slice %arg16[%add3A_302] : memref<160064xi32, #tpu.memory_space<vmem_shared>> -> memref<64xi32, #tpu.memory_space<vmem_shared>>
              %dma_wait3A_352 = tpu.memref_slice %arg16[%add3A_302] : memref<160064xi32, #tpu.memory_space<vmem_shared>> -> memref<64xi32, #tpu.memory_space<vmem_shared>>
              tpu.wait_dma2 semaphore(%run_scoped3A : memref<!tpu.dma_semaphore, #tpu.memory_space<semaphore_mem>>) src(%dma_wait3A_352 : memref<64xi32, #tpu.memory_space<vmem_shared>>) dst(%arg14 : memref<64xi32, #tpu.memory_space<vmem>>)
              tpu.yield
            }) : () -> ()
            %get3A_303 = arith.constant 0 : index
            %get3A_304 = tpu.vector_load %arg14[%get3A_303] {strides = array<i32>} : memref<64xi32, #tpu.memory_space<vmem>>, vector<16xi32>,
            %add3A_305 = arith.constant 0 : i32
            %add3A_306 = vector.broadcast %add3A_305 : i32 to vector<16xi32>
            %add3A_307 = arith.addi %add3A_306, %iota3A : vector<16xi32>
            %sub3A_308 = arith.subi %squeeze3A_218, %add3A_302 : i32
            %ge3A = vector.broadcast %sub3A_308 : i32 to vector<16xi32>
            %ge3A_309 = arith.cmpi sge, %add3A_307, %ge3A : vector<16xi32>
            %sub3A_310 = arith.subi %squeeze3A_224, %add3A_302 : i32
            %lt3A = vector.broadcast %sub3A_310 : i32 to vector<16xi32>
            %lt3A_311 = arith.cmpi slt, %add3A_307, %lt3A : vector<16xi32>
            %and3A_312 = arith.andi %ge3A_309, %lt3A_311 : vector<16xi1>
            tpu.vector_store_idx %arg12[%get3A_304], %broadcast_in_dim3A_10 masked %and3A_312 : memref<10240xf32, #tpu.memory_space<vmem>>[vector<16xi32>], vector<16xf32>, vector<16xi1>
            %get3A_313 = arith.constant 16 : index
            %get3A_314 = tpu.vector_load %arg14[%get3A_313] {strides = array<i32>} : memref<64xi32, #tpu.memory_space<vmem>>, vector<16xi32>,
            %add3A_315 = arith.constant 16 : i32
            %add3A_316 = vector.broadcast %add3A_315 : i32 to vector<16xi32>
            %add3A_317 = arith.addi %add3A_316, %iota3A : vector<16xi32>
            %sub3A_318 = arith.subi %squeeze3A_218, %add3A_302 : i32
            %ge3A_319 = vector.broadcast %sub3A_318 : i32 to vector<16xi32>
            %ge3A_320 = arith.cmpi sge, %add3A_317, %ge3A_319 : vector<16xi32>
            %sub3A_321 = arith.subi %squeeze3A_224, %add3A_302 : i32
            %lt3A_322 = vector.broadcast %sub3A_321 : i32 to vector<16xi32>
            %lt3A_323 = arith.cmpi slt, %add3A_317, %lt3A_322 : vector<16xi32>
            %and3A_324 = arith.andi %ge3A_320, %lt3A_323 : vector<16xi1>
            tpu.vector_store_idx %arg12[%get3A_314], %broadcast_in_dim3A_10 masked %and3A_324 : memref<10240xf32, #tpu.memory_space<vmem>>[vector<16xi32>], vector<16xf32>, vector<16xi1>
            %get3A_325 = arith.constant 32 : index
            %get3A_326 = tpu.vector_load %arg14[%get3A_325] {strides = array<i32>} : memref<64xi32, #tpu.memory_space<vmem>>, vector<16xi32>,
            %add3A_327 = arith.constant 32 : i32
            %add3A_328 = vector.broadcast %add3A_327 : i32 to vector<16xi32>
            %add3A_329 = arith.addi %add3A_328, %iota3A : vector<16xi32>
            %sub3A_330 = arith.subi %squeeze3A_218, %add3A_302 : i32
            %ge3A_331 = vector.broadcast %sub3A_330 : i32 to vector<16xi32>
            %ge3A_332 = arith.cmpi sge, %add3A_329, %ge3A_331 : vector<16xi32>
            %sub3A_333 = arith.subi %squeeze3A_224, %add3A_302 : i32
            %lt3A_334 = vector.broadcast %sub3A_333 : i32 to vector<16xi32>
            %lt3A_335 = arith.cmpi slt, %add3A_329, %lt3A_334 : vector<16xi32>
            %and3A_336 = arith.andi %ge3A_332, %lt3A_335 : vector<16xi1>
            tpu.vector_store_idx %arg12[%get3A_326], %broadcast_in_dim3A_10 masked %and3A_336 : memref<10240xf32, #tpu.memory_space<vmem>>[vector<16xi32>], vector<16xf32>, vector<16xi1>
            %get3A_337 = arith.constant 48 : index
            %get3A_338 = tpu.vector_load %arg14[%get3A_337] {strides = array<i32>} : memref<64xi32, #tpu.memory_space<vmem>>, vector<16xi32>,
            %add3A_339 = arith.constant 48 : i32
            %add3A_340 = vector.broadcast %add3A_339 : i32 to vector<16xi32>
            %add3A_341 = arith.addi %add3A_340, %iota3A : vector<16xi32>
            %sub3A_342 = arith.subi %squeeze3A_218, %add3A_302 : i32
            %ge3A_343 = vector.broadcast %sub3A_342 : i32 to vector<16xi32>
            %ge3A_344 = arith.cmpi sge, %add3A_341, %ge3A_343 : vector<16xi32>
            %sub3A_345 = arith.subi %squeeze3A_224, %add3A_302 : i32
            %lt3A_346 = vector.broadcast %sub3A_345 : i32 to vector<16xi32>
            %lt3A_347 = arith.cmpi slt, %add3A_341, %lt3A_346 : vector<16xi32>
            %and3A_348 = arith.andi %ge3A_344, %lt3A_347 : vector<16xi1>
            tpu.vector_store_idx %arg12[%get3A_338], %broadcast_in_dim3A_10 masked %and3A_348 : memref<10240xf32, #tpu.memory_space<vmem>>[vector<16xi32>], vector<16xf32>, vector<16xi1>
          }
          %while3A_296 = arith.constant 1 : i32
          scf.for %while3A_297 = %while3A_294 to %while3A_290 step %while3A_296  : i32 {
            %mul3A_298 = arith.muli %while3A_297, %while3A_286 : i32
            %add3A_299 = arith.addi %while3A_287, %mul3A_298 : i32
            %mul3A_300 = arith.constant 64 : i32
            %mul3A_301 = arith.muli %add3A_299, %mul3A_300 : i32
            %add3A_302 = arith.addi %mul3A_250, %mul3A_301 : i32
            "tpu.region"() ({
              %run_scoped3A = tpu.sem_alloc : memref<!tpu.dma_semaphore, #tpu.memory_space<semaphore_mem>>
              %dma_start3A_349 = tpu.memref_slice %arg16[%add3A_302] : memref<160064xi32, #tpu.memory_space<vmem_shared>> -> memref<64xi32, #tpu.memory_space<vmem_shared>>
              %dma_start3A_350 = tpu.memref_slice %arg16[%add3A_302] : memref<160064xi32, #tpu.memory_space<vmem_shared>> -> memref<64xi32, #tpu.memory_space<vmem_shared>>
              tpu.enqueue_dma source(%dma_start3A_350 : memref<64xi32, #tpu.memory_space<vmem_shared>>) target(%arg14 : memref<64xi32, #tpu.memory_space<vmem>>) target_semaphore(%run_scoped3A : memref<!tpu.dma_semaphore, #tpu.memory_space<semaphore_mem>>)
              %dma_wait3A_351 = tpu.memref_slice %arg16[%add3A_302] : memref<160064xi32, #tpu.memory_space<vmem_shared>> -> memref<64xi32, #tpu.memory_space<vmem_shared>>
              %dma_wait3A_352 = tpu.memref_slice %arg16[%add3A_302] : memref<160064xi32, #tpu.memory_space<vmem_shared>> -> memref<64xi32, #tpu.memory_space<vmem_shared>>
              tpu.wait_dma2 semaphore(%run_scoped3A : memref<!tpu.dma_semaphore, #tpu.memory_space<semaphore_mem>>) src(%dma_wait3A_352 : memref<64xi32, #tpu.memory_space<vmem_shared>>) dst(%arg14 : memref<64xi32, #tpu.memory_space<vmem>>)
              tpu.yield
            }) : () -> ()
            %get3A_303 = arith.constant 0 : index
            %get3A_304 = tpu.vector_load %arg14[%get3A_303] {strides = array<i32>} : memref<64xi32, #tpu.memory_space<vmem>>, vector<16xi32>,
            %add3A_305 = arith.constant 0 : i32
            %add3A_306 = vector.broadcast %add3A_305 : i32 to vector<16xi32>
            %add3A_307 = arith.addi %add3A_306, %iota3A : vector<16xi32>
            %sub3A_308 = arith.subi %squeeze3A_218, %add3A_302 : i32
            %ge3A = vector.broadcast %sub3A_308 : i32 to vector<16xi32>
            %ge3A_309 = arith.cmpi sge, %add3A_307, %ge3A : vector<16xi32>
            %sub3A_310 = arith.subi %squeeze3A_224, %add3A_302 : i32
            %lt3A = vector.broadcast %sub3A_310 : i32 to vector<16xi32>
            %lt3A_311 = arith.cmpi slt, %add3A_307, %lt3A : vector<16xi32>
            %and3A_312 = arith.andi %ge3A_309, %lt3A_311 : vector<16xi1>
            tpu.vector_store_idx %arg12[%get3A_304], %broadcast_in_dim3A_10 masked %and3A_312 : memref<10240xf32, #tpu.memory_space<vmem>>[vector<16xi32>], vector<16xf32>, vector<16xi1>
            %get3A_313 = arith.constant 16 : index
            %get3A_314 = tpu.vector_load %arg14[%get3A_313] {strides = array<i32>} : memref<64xi32, #tpu.memory_space<vmem>>, vector<16xi32>,
            %add3A_315 = arith.constant 16 : i32
            %add3A_316 = vector.broadcast %add3A_315 : i32 to vector<16xi32>
            %add3A_317 = arith.addi %add3A_316, %iota3A : vector<16xi32>
            %sub3A_318 = arith.subi %squeeze3A_218, %add3A_302 : i32
            %ge3A_319 = vector.broadcast %sub3A_318 : i32 to vector<16xi32>
            %ge3A_320 = arith.cmpi sge, %add3A_317, %ge3A_319 : vector<16xi32>
            %sub3A_321 = arith.subi %squeeze3A_224, %add3A_302 : i32
            %lt3A_322 = vector.broadcast %sub3A_321 : i32 to vector<16xi32>
            %lt3A_323 = arith.cmpi slt, %add3A_317, %lt3A_322 : vector<16xi32>
            %and3A_324 = arith.andi %ge3A_320, %lt3A_323 : vector<16xi1>
            tpu.vector_store_idx %arg12[%get3A_314], %broadcast_in_dim3A_10 masked %and3A_324 : memref<10240xf32, #tpu.memory_space<vmem>>[vector<16xi32>], vector<16xf32>, vector<16xi1>
            %get3A_325 = arith.constant 32 : index
            %get3A_326 = tpu.vector_load %arg14[%get3A_325] {strides = array<i32>} : memref<64xi32, #tpu.memory_space<vmem>>, vector<16xi32>,
            %add3A_327 = arith.constant 32 : i32
            %add3A_328 = vector.broadcast %add3A_327 : i32 to vector<16xi32>
            %add3A_329 = arith.addi %add3A_328, %iota3A : vector<16xi32>
            %sub3A_330 = arith.subi %squeeze3A_218, %add3A_302 : i32
            %ge3A_331 = vector.broadcast %sub3A_330 : i32 to vector<16xi32>
            %ge3A_332 = arith.cmpi sge, %add3A_329, %ge3A_331 : vector<16xi32>
            %sub3A_333 = arith.subi %squeeze3A_224, %add3A_302 : i32
            %lt3A_334 = vector.broadcast %sub3A_333 : i32 to vector<16xi32>
            %lt3A_335 = arith.cmpi slt, %add3A_329, %lt3A_334 : vector<16xi32>
            %and3A_336 = arith.andi %ge3A_332, %lt3A_335 : vector<16xi1>
            tpu.vector_store_idx %arg12[%get3A_326], %broadcast_in_dim3A_10 masked %and3A_336 : memref<10240xf32, #tpu.memory_space<vmem>>[vector<16xi32>], vector<16xf32>, vector<16xi1>
            %get3A_337 = arith.constant 48 : index
            %get3A_338 = tpu.vector_load %arg14[%get3A_337] {strides = array<i32>} : memref<64xi32, #tpu.memory_space<vmem>>, vector<16xi32>,
            %add3A_339 = arith.constant 48 : i32
            %add3A_340 = vector.broadcast %add3A_339 : i32 to vector<16xi32>
            %add3A_341 = arith.addi %add3A_340, %iota3A : vector<16xi32>
            %sub3A_342 = arith.subi %squeeze3A_218, %add3A_302 : i32
            %ge3A_343 = vector.broadcast %sub3A_342 : i32 to vector<16xi32>
            %ge3A_344 = arith.cmpi sge, %add3A_341, %ge3A_343 : vector<16xi32>
            %sub3A_345 = arith.subi %squeeze3A_224, %add3A_302 : i32
            %lt3A_346 = vector.broadcast %sub3A_345 : i32 to vector<16xi32>
            %lt3A_347 = arith.cmpi slt, %add3A_341, %lt3A_346 : vector<16xi32>
            %and3A_348 = arith.andi %ge3A_344, %lt3A_347 : vector<16xi1>
            tpu.vector_store_idx %arg12[%get3A_338], %broadcast_in_dim3A_10 masked %and3A_348 : memref<10240xf32, #tpu.memory_space<vmem>>[vector<16xi32>], vector<16xf32>, vector<16xi1>
          }
        }
        %while3A_207 = arith.constant 1 : i32
        scf.for %while3A_208 = %while3A_205 to %while3A_201 step %while3A_207  : i32 {
          %mul3A_209 = arith.muli %while3A_208, %while3A_198 : i32
          %add3A_210 = arith.addi %max3A_188, %mul3A_209 : i32
          %get3A_211 = arith.index_cast %add3A_210 : i32 to index
          %get3A_212 = tpu.vector_load %arg13[%get3A_211] {strides = array<i32>} : memref<80xi32, #tpu.memory_space<vmem>>, vector<16xi32>,
          %slice3A_213 = vector.extract_strided_slice %get3A_212 {offsets = [0], sizes = [1], strides = [1]} : vector<16xi32> to vector<1xi32>
          %squeeze3A_214 = vector.extract %slice3A_213[0] : i32 from vector<1xi32>
          %get3A_215 = arith.index_cast %squeeze3A_214 : i32 to index
          %get3A_216 = tpu.vector_load %arg10[%get3A_215] {strides = array<i32>} : memref<10016xi32, #tpu.memory_space<vmem>>, vector<16xi32>,
          %slice3A_217 = vector.extract_strided_slice %get3A_216 {offsets = [0], sizes = [1], strides = [1]} : vector<16xi32> to vector<1xi32>
          %squeeze3A_218 = vector.extract %slice3A_217[0] : i32 from vector<1xi32>
          %add3A_219 = arith.constant 1 : i32
          %add3A_220 = arith.addi %squeeze3A_214, %add3A_219 : i32
          %get3A_221 = arith.index_cast %add3A_220 : i32 to index
          %get3A_222 = tpu.vector_load %arg10[%get3A_221] {strides = array<i32>} : memref<10016xi32, #tpu.memory_space<vmem>>, vector<16xi32>,
          %slice3A_223 = vector.extract_strided_slice %get3A_222 {offsets = [0], sizes = [1], strides = [1]} : vector<16xi32> to vector<1xi32>
          %squeeze3A_224 = vector.extract %slice3A_223[0] : i32 from vector<1xi32>
          %jit3A_225 = arith.constant 8 : i32
          %div3A_226 = arith.divsi %squeeze3A_218, %jit3A_225 : i32
          %sign3A_227 = arith.constant 0 : i32
          %sign3A_228 = arith.cmpi sgt, %squeeze3A_218, %sign3A_227 : i32
          %sign3A_229 = arith.extui %sign3A_228 : i1 to i32
          %sign3A_230 = arith.constant 0 : i32
          %sign3A_231 = arith.cmpi slt, %squeeze3A_218, %sign3A_230 : i32
          %sign3A_232 = arith.extui %sign3A_231 : i1 to i32
          %sign3A_233 = arith.subi %sign3A_229, %sign3A_232 : i32
          %sign3A_234 = arith.constant 0 : i32
          %sign3A_235 = arith.cmpi sgt, %jit3A_225, %sign3A_234 : i32
          %sign3A_236 = arith.extui %sign3A_235 : i1 to i32
          %sign3A_237 = arith.constant 0 : i32
          %sign3A_238 = arith.cmpi slt, %jit3A_225, %sign3A_237 : i32
          %sign3A_239 = arith.extui %sign3A_238 : i1 to i32
          %sign3A_240 = arith.subi %sign3A_236, %sign3A_239 : i32
          %ne3A_241 = arith.cmpi ne, %sign3A_233, %sign3A_240 : i32
          %rem3A_242 = arith.remsi %squeeze3A_218, %jit3A_225 : i32
          %ne3A_243 = arith.constant 0 : i32
          %ne3A_244 = arith.cmpi ne, %rem3A_242, %ne3A_243 : i32
          %and3A_245 = arith.andi %ne3A_241, %ne3A_244 : i1
          %sub3A_246 = arith.constant 1 : i32
          %sub3A_247 = arith.subi %div3A_226, %sub3A_246 : i32
          %select_n3A_248 = arith.select %and3A_245, %sub3A_247, %div3A_226 : i32
          %mul3A_249 = arith.constant 8 : i32
          %mul3A_250 = arith.muli %select_n3A_248, %mul3A_249 : i32
          %sub3A_251 = arith.subi %squeeze3A_224, %mul3A_250 : i32
          %add3A_252 = arith.constant 63 : i32
          %add3A_253 = arith.addi %sub3A_251, %add3A_252 : i32
          %jit3A_254 = arith.constant 64 : i32
          %div3A_255 = arith.divsi %add3A_253, %jit3A_254 : i32
          %sign3A_256 = arith.constant 0 : i32
          %sign3A_257 = arith.cmpi sgt, %add3A_253, %sign3A_256 : i32
          %sign3A_258 = arith.extui %sign3A_257 : i1 to i32
          %sign3A_259 = arith.constant 0 : i32
          %sign3A_260 = arith.cmpi slt, %add3A_253, %sign3A_259 : i32
          %sign3A_261 = arith.extui %sign3A_260 : i1 to i32
          %sign3A_262 = arith.subi %sign3A_258, %sign3A_261 : i32
          %sign3A_263 = arith.constant 0 : i32
          %sign3A_264 = arith.cmpi sgt, %jit3A_254, %sign3A_263 : i32
          %sign3A_265 = arith.extui %sign3A_264 : i1 to i32
          %sign3A_266 = arith.constant 0 : i32
          %sign3A_267 = arith.cmpi slt, %jit3A_254, %sign3A_266 : i32
          %sign3A_268 = arith.extui %sign3A_267 : i1 to i32
          %sign3A_269 = arith.subi %sign3A_265, %sign3A_268 : i32
          %ne3A_270 = arith.cmpi ne, %sign3A_262, %sign3A_269 : i32
          %rem3A_271 = arith.remsi %add3A_253, %jit3A_254 : i32
          %ne3A_272 = arith.constant 0 : i32
          %ne3A_273 = arith.cmpi ne, %rem3A_271, %ne3A_272 : i32
          %and3A_274 = arith.andi %ne3A_270, %ne3A_273 : i1
          %sub3A_275 = arith.constant 1 : i32
          %sub3A_276 = arith.subi %div3A_255, %sub3A_275 : i32
          %select_n3A_277 = arith.select %and3A_274, %sub3A_276, %div3A_255 : i32
          %sub3A_278 = arith.constant 0 : i32
          %sub3A_279 = arith.subi %select_n3A_277, %sub3A_278 : i32
          %sub3A_280 = arith.constant 1 : i32
          %sub3A_281 = arith.constant 1 : i32
          %sub3A_282 = arith.subi %sub3A_280, %sub3A_281 : i32
          %add3A_283 = arith.addi %sub3A_279, %sub3A_282 : i32
          %div3A_284 = arith.constant 1 : i32
          %div3A_285 = arith.divsi %add3A_283, %div3A_284 : i32
          %while3A_286 = arith.constant 1 : i32
          %while3A_287 = arith.constant 0 : i32
          %while3A_288 = arith.constant 0 : i32
          %while3A_289 = arith.subi %div3A_285, %while3A_288 : i32
          %while3A_290 = arith.addi %while3A_288, %while3A_289 : i32
          %while3A_291 = arith.constant 1 : i32
          %while3A_292 = arith.divsi %while3A_289, %while3A_291 : i32
          %while3A_293 = arith.muli %while3A_292, %while3A_291 : i32
          %while3A_294 = arith.addi %while3A_288, %while3A_293 : i32
          %while3A_295 = arith.constant 1 : i32
          scf.for %while3A_297 = %while3A_288 to %while3A_294 step %while3A_295  : i32 {
            %mul3A_298 = arith.muli %while3A_297, %while3A_286 : i32
            %add3A_299 = arith.addi %while3A_287, %mul3A_298 : i32
            %mul3A_300 = arith.constant 64 : i32
            %mul3A_301 = arith.muli %add3A_299, %mul3A_300 : i32
            %add3A_302 = arith.addi %mul3A_250, %mul3A_301 : i32
            "tpu.region"() ({
              %run_scoped3A = tpu.sem_alloc : memref<!tpu.dma_semaphore, #tpu.memory_space<semaphore_mem>>
              %dma_start3A_349 = tpu.memref_slice %arg16[%add3A_302] : memref<160064xi32, #tpu.memory_space<vmem_shared>> -> memref<64xi32, #tpu.memory_space<vmem_shared>>
              %dma_start3A_350 = tpu.memref_slice %arg16[%add3A_302] : memref<160064xi32, #tpu.memory_space<vmem_shared>> -> memref<64xi32, #tpu.memory_space<vmem_shared>>
              tpu.enqueue_dma source(%dma_start3A_350 : memref<64xi32, #tpu.memory_space<vmem_shared>>) target(%arg14 : memref<64xi32, #tpu.memory_space<vmem>>) target_semaphore(%run_scoped3A : memref<!tpu.dma_semaphore, #tpu.memory_space<semaphore_mem>>)
              %dma_wait3A_351 = tpu.memref_slice %arg16[%add3A_302] : memref<160064xi32, #tpu.memory_space<vmem_shared>> -> memref<64xi32, #tpu.memory_space<vmem_shared>>
              %dma_wait3A_352 = tpu.memref_slice %arg16[%add3A_302] : memref<160064xi32, #tpu.memory_space<vmem_shared>> -> memref<64xi32, #tpu.memory_space<vmem_shared>>
              tpu.wait_dma2 semaphore(%run_scoped3A : memref<!tpu.dma_semaphore, #tpu.memory_space<semaphore_mem>>) src(%dma_wait3A_352 : memref<64xi32, #tpu.memory_space<vmem_shared>>) dst(%arg14 : memref<64xi32, #tpu.memory_space<vmem>>)
              tpu.yield
            }) : () -> ()
            %get3A_303 = arith.constant 0 : index
            %get3A_304 = tpu.vector_load %arg14[%get3A_303] {strides = array<i32>} : memref<64xi32, #tpu.memory_space<vmem>>, vector<16xi32>,
            %add3A_305 = arith.constant 0 : i32
            %add3A_306 = vector.broadcast %add3A_305 : i32 to vector<16xi32>
            %add3A_307 = arith.addi %add3A_306, %iota3A : vector<16xi32>
            %sub3A_308 = arith.subi %squeeze3A_218, %add3A_302 : i32
            %ge3A = vector.broadcast %sub3A_308 : i32 to vector<16xi32>
            %ge3A_309 = arith.cmpi sge, %add3A_307, %ge3A : vector<16xi32>
            %sub3A_310 = arith.subi %squeeze3A_224, %add3A_302 : i32
            %lt3A = vector.broadcast %sub3A_310 : i32 to vector<16xi32>
            %lt3A_311 = arith.cmpi slt, %add3A_307, %lt3A : vector<16xi32>
            %and3A_312 = arith.andi %ge3A_309, %lt3A_311 : vector<16xi1>
            tpu.vector_store_idx %arg12[%get3A_304], %broadcast_in_dim3A_10 masked %and3A_312 : memref<10240xf32, #tpu.memory_space<vmem>>[vector<16xi32>], vector<16xf32>, vector<16xi1>
            %get3A_313 = arith.constant 16 : index
            %get3A_314 = tpu.vector_load %arg14[%get3A_313] {strides = array<i32>} : memref<64xi32, #tpu.memory_space<vmem>>, vector<16xi32>,
            %add3A_315 = arith.constant 16 : i32
            %add3A_316 = vector.broadcast %add3A_315 : i32 to vector<16xi32>
            %add3A_317 = arith.addi %add3A_316, %iota3A : vector<16xi32>
            %sub3A_318 = arith.subi %squeeze3A_218, %add3A_302 : i32
            %ge3A_319 = vector.broadcast %sub3A_318 : i32 to vector<16xi32>
            %ge3A_320 = arith.cmpi sge, %add3A_317, %ge3A_319 : vector<16xi32>
            %sub3A_321 = arith.subi %squeeze3A_224, %add3A_302 : i32
            %lt3A_322 = vector.broadcast %sub3A_321 : i32 to vector<16xi32>
            %lt3A_323 = arith.cmpi slt, %add3A_317, %lt3A_322 : vector<16xi32>
            %and3A_324 = arith.andi %ge3A_320, %lt3A_323 : vector<16xi1>
            tpu.vector_store_idx %arg12[%get3A_314], %broadcast_in_dim3A_10 masked %and3A_324 : memref<10240xf32, #tpu.memory_space<vmem>>[vector<16xi32>], vector<16xf32>, vector<16xi1>
            %get3A_325 = arith.constant 32 : index
            %get3A_326 = tpu.vector_load %arg14[%get3A_325] {strides = array<i32>} : memref<64xi32, #tpu.memory_space<vmem>>, vector<16xi32>,
            %add3A_327 = arith.constant 32 : i32
            %add3A_328 = vector.broadcast %add3A_327 : i32 to vector<16xi32>
            %add3A_329 = arith.addi %add3A_328, %iota3A : vector<16xi32>
            %sub3A_330 = arith.subi %squeeze3A_218, %add3A_302 : i32
            %ge3A_331 = vector.broadcast %sub3A_330 : i32 to vector<16xi32>
            %ge3A_332 = arith.cmpi sge, %add3A_329, %ge3A_331 : vector<16xi32>
            %sub3A_333 = arith.subi %squeeze3A_224, %add3A_302 : i32
            %lt3A_334 = vector.broadcast %sub3A_333 : i32 to vector<16xi32>
            %lt3A_335 = arith.cmpi slt, %add3A_329, %lt3A_334 : vector<16xi32>
            %and3A_336 = arith.andi %ge3A_332, %lt3A_335 : vector<16xi1>
            tpu.vector_store_idx %arg12[%get3A_326], %broadcast_in_dim3A_10 masked %and3A_336 : memref<10240xf32, #tpu.memory_space<vmem>>[vector<16xi32>], vector<16xf32>, vector<16xi1>
            %get3A_337 = arith.constant 48 : index
            %get3A_338 = tpu.vector_load %arg14[%get3A_337] {strides = array<i32>} : memref<64xi32, #tpu.memory_space<vmem>>, vector<16xi32>,
            %add3A_339 = arith.constant 48 : i32
            %add3A_340 = vector.broadcast %add3A_339 : i32 to vector<16xi32>
            %add3A_341 = arith.addi %add3A_340, %iota3A : vector<16xi32>
            %sub3A_342 = arith.subi %squeeze3A_218, %add3A_302 : i32
            %ge3A_343 = vector.broadcast %sub3A_342 : i32 to vector<16xi32>
            %ge3A_344 = arith.cmpi sge, %add3A_341, %ge3A_343 : vector<16xi32>
            %sub3A_345 = arith.subi %squeeze3A_224, %add3A_302 : i32
            %lt3A_346 = vector.broadcast %sub3A_345 : i32 to vector<16xi32>
            %lt3A_347 = arith.cmpi slt, %add3A_341, %lt3A_346 : vector<16xi32>
            %and3A_348 = arith.andi %ge3A_344, %lt3A_347 : vector<16xi1>
            tpu.vector_store_idx %arg12[%get3A_338], %broadcast_in_dim3A_10 masked %and3A_348 : memref<10240xf32, #tpu.memory_space<vmem>>[vector<16xi32>], vector<16xf32>, vector<16xi1>
          }
          %while3A_296 = arith.constant 1 : i32
          scf.for %while3A_297 = %while3A_294 to %while3A_290 step %while3A_296  : i32 {
            %mul3A_298 = arith.muli %while3A_297, %while3A_286 : i32
            %add3A_299 = arith.addi %while3A_287, %mul3A_298 : i32
            %mul3A_300 = arith.constant 64 : i32
            %mul3A_301 = arith.muli %add3A_299, %mul3A_300 : i32
            %add3A_302 = arith.addi %mul3A_250, %mul3A_301 : i32
            "tpu.region"() ({
              %run_scoped3A = tpu.sem_alloc : memref<!tpu.dma_semaphore, #tpu.memory_space<semaphore_mem>>
              %dma_start3A_349 = tpu.memref_slice %arg16[%add3A_302] : memref<160064xi32, #tpu.memory_space<vmem_shared>> -> memref<64xi32, #tpu.memory_space<vmem_shared>>
              %dma_start3A_350 = tpu.memref_slice %arg16[%add3A_302] : memref<160064xi32, #tpu.memory_space<vmem_shared>> -> memref<64xi32, #tpu.memory_space<vmem_shared>>
              tpu.enqueue_dma source(%dma_start3A_350 : memref<64xi32, #tpu.memory_space<vmem_shared>>) target(%arg14 : memref<64xi32, #tpu.memory_space<vmem>>) target_semaphore(%run_scoped3A : memref<!tpu.dma_semaphore, #tpu.memory_space<semaphore_mem>>)
              %dma_wait3A_351 = tpu.memref_slice %arg16[%add3A_302] : memref<160064xi32, #tpu.memory_space<vmem_shared>> -> memref<64xi32, #tpu.memory_space<vmem_shared>>
              %dma_wait3A_352 = tpu.memref_slice %arg16[%add3A_302] : memref<160064xi32, #tpu.memory_space<vmem_shared>> -> memref<64xi32, #tpu.memory_space<vmem_shared>>
              tpu.wait_dma2 semaphore(%run_scoped3A : memref<!tpu.dma_semaphore, #tpu.memory_space<semaphore_mem>>) src(%dma_wait3A_352 : memref<64xi32, #tpu.memory_space<vmem_shared>>) dst(%arg14 : memref<64xi32, #tpu.memory_space<vmem>>)
              tpu.yield
            }) : () -> ()
            %get3A_303 = arith.constant 0 : index
            %get3A_304 = tpu.vector_load %arg14[%get3A_303] {strides = array<i32>} : memref<64xi32, #tpu.memory_space<vmem>>, vector<16xi32>,
            %add3A_305 = arith.constant 0 : i32
            %add3A_306 = vector.broadcast %add3A_305 : i32 to vector<16xi32>
            %add3A_307 = arith.addi %add3A_306, %iota3A : vector<16xi32>
            %sub3A_308 = arith.subi %squeeze3A_218, %add3A_302 : i32
            %ge3A = vector.broadcast %sub3A_308 : i32 to vector<16xi32>
            %ge3A_309 = arith.cmpi sge, %add3A_307, %ge3A : vector<16xi32>
            %sub3A_310 = arith.subi %squeeze3A_224, %add3A_302 : i32
            %lt3A = vector.broadcast %sub3A_310 : i32 to vector<16xi32>
            %lt3A_311 = arith.cmpi slt, %add3A_307, %lt3A : vector<16xi32>
            %and3A_312 = arith.andi %ge3A_309, %lt3A_311 : vector<16xi1>
            tpu.vector_store_idx %arg12[%get3A_304], %broadcast_in_dim3A_10 masked %and3A_312 : memref<10240xf32, #tpu.memory_space<vmem>>[vector<16xi32>], vector<16xf32>, vector<16xi1>
            %get3A_313 = arith.constant 16 : index
            %get3A_314 = tpu.vector_load %arg14[%get3A_313] {strides = array<i32>} : memref<64xi32, #tpu.memory_space<vmem>>, vector<16xi32>,
            %add3A_315 = arith.constant 16 : i32
            %add3A_316 = vector.broadcast %add3A_315 : i32 to vector<16xi32>
            %add3A_317 = arith.addi %add3A_316, %iota3A : vector<16xi32>
            %sub3A_318 = arith.subi %squeeze3A_218, %add3A_302 : i32
            %ge3A_319 = vector.broadcast %sub3A_318 : i32 to vector<16xi32>
            %ge3A_320 = arith.cmpi sge, %add3A_317, %ge3A_319 : vector<16xi32>
            %sub3A_321 = arith.subi %squeeze3A_224, %add3A_302 : i32
            %lt3A_322 = vector.broadcast %sub3A_321 : i32 to vector<16xi32>
            %lt3A_323 = arith.cmpi slt, %add3A_317, %lt3A_322 : vector<16xi32>
            %and3A_324 = arith.andi %ge3A_320, %lt3A_323 : vector<16xi1>
            tpu.vector_store_idx %arg12[%get3A_314], %broadcast_in_dim3A_10 masked %and3A_324 : memref<10240xf32, #tpu.memory_space<vmem>>[vector<16xi32>], vector<16xf32>, vector<16xi1>
            %get3A_325 = arith.constant 32 : index
            %get3A_326 = tpu.vector_load %arg14[%get3A_325] {strides = array<i32>} : memref<64xi32, #tpu.memory_space<vmem>>, vector<16xi32>,
            %add3A_327 = arith.constant 32 : i32
            %add3A_328 = vector.broadcast %add3A_327 : i32 to vector<16xi32>
            %add3A_329 = arith.addi %add3A_328, %iota3A : vector<16xi32>
            %sub3A_330 = arith.subi %squeeze3A_218, %add3A_302 : i32
            %ge3A_331 = vector.broadcast %sub3A_330 : i32 to vector<16xi32>
            %ge3A_332 = arith.cmpi sge, %add3A_329, %ge3A_331 : vector<16xi32>
            %sub3A_333 = arith.subi %squeeze3A_224, %add3A_302 : i32
            %lt3A_334 = vector.broadcast %sub3A_333 : i32 to vector<16xi32>
            %lt3A_335 = arith.cmpi slt, %add3A_329, %lt3A_334 : vector<16xi32>
            %and3A_336 = arith.andi %ge3A_332, %lt3A_335 : vector<16xi1>
            tpu.vector_store_idx %arg12[%get3A_326], %broadcast_in_dim3A_10 masked %and3A_336 : memref<10240xf32, #tpu.memory_space<vmem>>[vector<16xi32>], vector<16xf32>, vector<16xi1>
            %get3A_337 = arith.constant 48 : index
            %get3A_338 = tpu.vector_load %arg14[%get3A_337] {strides = array<i32>} : memref<64xi32, #tpu.memory_space<vmem>>, vector<16xi32>,
            %add3A_339 = arith.constant 48 : i32
            %add3A_340 = vector.broadcast %add3A_339 : i32 to vector<16xi32>
            %add3A_341 = arith.addi %add3A_340, %iota3A : vector<16xi32>
            %sub3A_342 = arith.subi %squeeze3A_218, %add3A_302 : i32
            %ge3A_343 = vector.broadcast %sub3A_342 : i32 to vector<16xi32>
            %ge3A_344 = arith.cmpi sge, %add3A_341, %ge3A_343 : vector<16xi32>
            %sub3A_345 = arith.subi %squeeze3A_224, %add3A_302 : i32
            %lt3A_346 = vector.broadcast %sub3A_345 : i32 to vector<16xi32>
            %lt3A_347 = arith.cmpi slt, %add3A_341, %lt3A_346 : vector<16xi32>
            %and3A_348 = arith.andi %ge3A_344, %lt3A_347 : vector<16xi1>
            tpu.vector_store_idx %arg12[%get3A_338], %broadcast_in_dim3A_10 masked %and3A_348 : memref<10240xf32, #tpu.memory_space<vmem>>[vector<16xi32>], vector<16xf32>, vector<16xi1>
          }
        }
      }
      %add3A_180 = arith.addi %mul3A_2, %scan3A_16 : i32
      "tpu.region"() ({
        %run_scoped3A = tpu.sem_alloc : memref<!tpu.dma_semaphore, #tpu.memory_space<semaphore_mem>>
        %dma_start3A_181 = arith.constant 0 : i32
        %dma_start3A_182 = tpu.memref_slice %arg6[%add3A_180, %dma_start3A_181] : memref<512x10240xf32, #tpu.memory_space<hbm>> -> memref<1x10240xf32, #tpu.memory_space<hbm>>
        %dma_start3A_183 = tpu.memref_squeeze %dma_start3A_182 : memref<1x10240xf32, #tpu.memory_space<hbm>> -> memref<10240xf32, #tpu.memory_space<hbm>>
        %dma_start3A_184 = arith.constant 0 : i32
        %dma_start3A_185 = tpu.memref_slice %arg6[%add3A_180, %dma_start3A_184] : memref<512x10240xf32, #tpu.memory_space<hbm>> -> memref<1x10240xf32, #tpu.memory_space<hbm>>
        %dma_start3A_186 = tpu.memref_squeeze %dma_start3A_185 : memref<1x10240xf32, #tpu.memory_space<hbm>> -> memref<10240xf32, #tpu.memory_space<hbm>>
        tpu.enqueue_dma source(%arg11 : memref<10240xf32, #tpu.memory_space<vmem>>) target(%dma_start3A_186 : memref<10240xf32, #tpu.memory_space<hbm>>) target_semaphore(%run_scoped3A : memref<!tpu.dma_semaphore, #tpu.memory_space<semaphore_mem>>)
        %dma_wait3A_187 = arith.constant 0 : i32
        %dma_wait3A_188 = tpu.memref_slice %arg6[%add3A_180, %dma_wait3A_187] : memref<512x10240xf32, #tpu.memory_space<hbm>> -> memref<1x10240xf32, #tpu.memory_space<hbm>>
        %dma_wait3A_189 = tpu.memref_squeeze %dma_wait3A_188 : memref<1x10240xf32, #tpu.memory_space<hbm>> -> memref<10240xf32, #tpu.memory_space<hbm>>
        %dma_wait3A_190 = arith.constant 0 : i32
        %dma_wait3A_191 = tpu.memref_slice %arg6[%add3A_180, %dma_wait3A_190] : memref<512x10240xf32, #tpu.memory_space<hbm>> -> memref<1x10240xf32, #tpu.memory_space<hbm>>
        %dma_wait3A_192 = tpu.memref_squeeze %dma_wait3A_191 : memref<1x10240xf32, #tpu.memory_space<hbm>> -> memref<10240xf32, #tpu.memory_space<hbm>>
        tpu.wait_dma2 semaphore(%run_scoped3A : memref<!tpu.dma_semaphore, #tpu.memory_space<semaphore_mem>>) src(%arg11 : memref<10240xf32, #tpu.memory_space<vmem>>) dst(%dma_wait3A_192 : memref<10240xf32, #tpu.memory_space<hbm>>)
        tpu.yield
      }) : () -> ()
      "tpu.region"() ({
        %run_scoped3A = tpu.sem_alloc : memref<!tpu.dma_semaphore, #tpu.memory_space<semaphore_mem>>
        %dma_start3A_181 = arith.constant 0 : i32
        %dma_start3A_182 = tpu.memref_slice %arg7[%add3A_180, %dma_start3A_181] : memref<512x10240xf32, #tpu.memory_space<hbm>> -> memref<1x10240xf32, #tpu.memory_space<hbm>>
        %dma_start3A_183 = tpu.memref_squeeze %dma_start3A_182 : memref<1x10240xf32, #tpu.memory_space<hbm>> -> memref<10240xf32, #tpu.memory_space<hbm>>
        %dma_start3A_184 = arith.constant 0 : i32
        %dma_start3A_185 = tpu.memref_slice %arg7[%add3A_180, %dma_start3A_184] : memref<512x10240xf32, #tpu.memory_space<hbm>> -> memref<1x10240xf32, #tpu.memory_space<hbm>>
        %dma_start3A_186 = tpu.memref_squeeze %dma_start3A_185 : memref<1x10240xf32, #tpu.memory_space<hbm>> -> memref<10240xf32, #tpu.memory_space<hbm>>
        tpu.enqueue_dma source(%arg12 : memref<10240xf32, #tpu.memory_space<vmem>>) target(%dma_start3A_186 : memref<10240xf32, #tpu.memory_space<hbm>>) target_semaphore(%run_scoped3A : memref<!tpu.dma_semaphore, #tpu.memory_space<semaphore_mem>>)
        %dma_wait3A_187 = arith.constant 0 : i32
        %dma_wait3A_188 = tpu.memref_slice %arg7[%add3A_180, %dma_wait3A_187] : memref<512x10240xf32, #tpu.memory_space<hbm>> -> memref<1x10240xf32, #tpu.memory_space<hbm>>
        %dma_wait3A_189 = tpu.memref_squeeze %dma_wait3A_188 : memref<1x10240xf32, #tpu.memory_space<hbm>> -> memref<10240xf32, #tpu.memory_space<hbm>>
        %dma_wait3A_190 = arith.constant 0 : i32
        %dma_wait3A_191 = tpu.memref_slice %arg7[%add3A_180, %dma_wait3A_190] : memref<512x10240xf32, #tpu.memory_space<hbm>> -> memref<1x10240xf32, #tpu.memory_space<hbm>>
        %dma_wait3A_192 = tpu.memref_squeeze %dma_wait3A_191 : memref<1x10240xf32, #tpu.memory_space<hbm>> -> memref<10240xf32, #tpu.memory_space<hbm>>
        tpu.wait_dma2 semaphore(%run_scoped3A : memref<!tpu.dma_semaphore, #tpu.memory_space<semaphore_mem>>) src(%arg12 : memref<10240xf32, #tpu.memory_space<vmem>>) dst(%dma_wait3A_192 : memref<10240xf32, #tpu.memory_space<hbm>>)
        tpu.yield
      }) : () -> ()
    }
    %scan3A_15 = arith.constant 16 : i32
    return
  }
}

module attributes {stable_mosaic.version = 14 : i64} {
  func.func @_tc_body(%arg0: i32, %arg1: memref<512x1024xf32, #tpu.memory_space<vmem>>, %arg2: memref<512x1024xf32, #tpu.memory_space<vmem>>, %arg3: memref<1024x128xf32, #tpu.memory_space<vmem>>, %arg4: memref<512x128xf32, #tpu.memory_space<vmem>>, %arg5: memref<128x256xf32, #tpu.memory_space<vmem>>, %arg6: memref<1x256xf32, #tpu.memory_space<vmem>>, %arg7: memref<256x256xf32, #tpu.memory_space<vmem>>, %arg8: memref<1x256xf32, #tpu.memory_space<vmem>>, %arg9: memref<256x256xf32, #tpu.memory_space<vmem>>, %arg10: memref<1x256xf32, #tpu.memory_space<vmem>>, %arg11: memref<128x256xf32, #tpu.memory_space<vmem>>, %arg12: memref<1x256xf32, #tpu.memory_space<vmem>>, %arg13: memref<256x256xf32, #tpu.memory_space<vmem>>, %arg14: memref<1x256xf32, #tpu.memory_space<vmem>>, %arg15: memref<256x256xf32, #tpu.memory_space<vmem>>, %arg16: memref<1x256xf32, #tpu.memory_space<vmem>>, %arg17: memref<128x256xf32, #tpu.memory_space<vmem>>, %arg18: memref<1x256xf32, #tpu.memory_space<vmem>>, %arg19: memref<256x256xf32, #tpu.memory_space<vmem>>, %arg20: memref<1x256xf32, #tpu.memory_space<vmem>>, %arg21: memref<256x256xf32, #tpu.memory_space<vmem>>, %arg22: memref<1x256xf32, #tpu.memory_space<vmem>>, %arg23: memref<128x256xf32, #tpu.memory_space<vmem>>, %arg24: memref<1x256xf32, #tpu.memory_space<vmem>>, %arg25: memref<256x256xf32, #tpu.memory_space<vmem>>, %arg26: memref<1x256xf32, #tpu.memory_space<vmem>>, %arg27: memref<256x256xf32, #tpu.memory_space<vmem>>, %arg28: memref<1x256xf32, #tpu.memory_space<vmem>>, %arg29: memref<256x128xf32, #tpu.memory_space<vmem>>, %arg30: memref<1x128xf32, #tpu.memory_space<vmem>>, %arg31: memref<1x3xf32, #tpu.memory_space<vmem>>, %arg32: memref<1x1xf32, #tpu.memory_space<vmem>>, %arg33: memref<256x128xf32, #tpu.memory_space<vmem>>, %arg34: memref<256x128xf32, #tpu.memory_space<vmem>>, %arg35: memref<256x128xf32, #tpu.memory_space<vmem>>, %arg36: memref<256x128xf32, #tpu.memory_space<vmem>>, %arg37: memref<256x128xf32, #tpu.memory_space<vmem>>) attributes {dimension_semantics = [#tpu.dimension_semantics<arbitrary>], iteration_bounds = array<i64: 10>, scalar_prefetch = 0 : i64, scratch_operands = 4 : i64, tpu.core_type = #tpu.core_type<tc>, window_params = [{transform_indices = @transform_0, window_bounds = array<i64: 512, 1024>}, {transform_indices = @transform_1, window_bounds = array<i64: 512, 1024>}, {transform_indices = @transform_2, window_bounds = array<i64: 1024, 128>}, {pipeline_mode = #tpu.pipeline_mode<synchronous>, transform_indices = @transform_3, window_bounds = array<i64: 512, 128>}, {pipeline_mode = #tpu.pipeline_mode<synchronous>, transform_indices = @transform_4, window_bounds = array<i64: 128, 256>}, {pipeline_mode = #tpu.pipeline_mode<synchronous>, transform_indices = @transform_5, window_bounds = array<i64: 1, 256>}, {pipeline_mode = #tpu.pipeline_mode<synchronous>, transform_indices = @transform_6, window_bounds = array<i64: 256, 256>}, {pipeline_mode = #tpu.pipeline_mode<synchronous>, transform_indices = @transform_7, window_bounds = array<i64: 1, 256>}, {pipeline_mode = #tpu.pipeline_mode<synchronous>, transform_indices = @transform_8, window_bounds = array<i64: 256, 256>}, {pipeline_mode = #tpu.pipeline_mode<synchronous>, transform_indices = @transform_9, window_bounds = array<i64: 1, 256>}, {pipeline_mode = #tpu.pipeline_mode<synchronous>, transform_indices = @transform_10, window_bounds = array<i64: 128, 256>}, {pipeline_mode = #tpu.pipeline_mode<synchronous>, transform_indices = @transform_11, window_bounds = array<i64: 1, 256>}, {pipeline_mode = #tpu.pipeline_mode<synchronous>, transform_indices = @transform_12, window_bounds = array<i64: 256, 256>}, {pipeline_mode = #tpu.pipeline_mode<synchronous>, transform_indices = @transform_13, window_bounds = array<i64: 1, 256>}, {pipeline_mode = #tpu.pipeline_mode<synchronous>, transform_indices = @transform_14, window_bounds = array<i64: 256, 256>}, {pipeline_mode = #tpu.pipeline_mode<synchronous>, transform_indices = @transform_15, window_bounds = array<i64: 1, 256>}, {pipeline_mode = #tpu.pipeline_mode<synchronous>, transform_indices = @transform_16, window_bounds = array<i64: 128, 256>}, {pipeline_mode = #tpu.pipeline_mode<synchronous>, transform_indices = @transform_17, window_bounds = array<i64: 1, 256>}, {pipeline_mode = #tpu.pipeline_mode<synchronous>, transform_indices = @transform_18, window_bounds = array<i64: 256, 256>}, {pipeline_mode = #tpu.pipeline_mode<synchronous>, transform_indices = @transform_19, window_bounds = array<i64: 1, 256>}, {pipeline_mode = #tpu.pipeline_mode<synchronous>, transform_indices = @transform_20, window_bounds = array<i64: 256, 256>}, {pipeline_mode = #tpu.pipeline_mode<synchronous>, transform_indices = @transform_21, window_bounds = array<i64: 1, 256>}, {pipeline_mode = #tpu.pipeline_mode<synchronous>, transform_indices = @transform_22, window_bounds = array<i64: 128, 256>}, {pipeline_mode = #tpu.pipeline_mode<synchronous>, transform_indices = @transform_23, window_bounds = array<i64: 1, 256>}, {pipeline_mode = #tpu.pipeline_mode<synchronous>, transform_indices = @transform_24, window_bounds = array<i64: 256, 256>}, {pipeline_mode = #tpu.pipeline_mode<synchronous>, transform_indices = @transform_25, window_bounds = array<i64: 1, 256>}, {pipeline_mode = #tpu.pipeline_mode<synchronous>, transform_indices = @transform_26, window_bounds = array<i64: 256, 256>}, {pipeline_mode = #tpu.pipeline_mode<synchronous>, transform_indices = @transform_27, window_bounds = array<i64: 1, 256>}, {pipeline_mode = #tpu.pipeline_mode<synchronous>, transform_indices = @transform_28, window_bounds = array<i64: 256, 128>}, {pipeline_mode = #tpu.pipeline_mode<synchronous>, transform_indices = @transform_29, window_bounds = array<i64: 1, 128>}, {pipeline_mode = #tpu.pipeline_mode<synchronous>, transform_indices = @transform_30, window_bounds = array<i64: 1, 3>}, {pipeline_mode = #tpu.pipeline_mode<synchronous>, transform_indices = @transform_31, window_bounds = array<i64: 1, 1>}, {pipeline_mode = #tpu.pipeline_mode<synchronous>, transform_indices = @transform_32, window_bounds = array<i64: 256, 128>}]} {
    %eq3A = arith.constant 0 : i32
    %eq3A_0 = arith.cmpi eq, %arg0, %eq3A : i32
    %convert_element_type3A = arith.extui %eq3A_0 : i1 to i32
    %cond3A = arith.constant 0 : i32
    %cond3A_1 = arith.cmpi ne, %convert_element_type3A, %cond3A : i32
    scf.if %cond3A_1 {
      %broadcast_in_dim3A = arith.constant 0.000000e+00 : f32
      %broadcast_in_dim3A_54 = vector.broadcast %broadcast_in_dim3A : f32 to vector<256x128xf32>
      %swap3A_55 = arith.constant 0 : index
      %swap3A_56 = arith.constant 0 : index
      %swap3A_57 = vector.load %arg34[%swap3A_55, %swap3A_56] : memref<256x128xf32, #tpu.memory_space<vmem>>, vector<256x128xf32>
      tpu.vector_store %arg34[%swap3A_55, %swap3A_56], %broadcast_in_dim3A_54 {strides = array<i32>} : memref<256x128xf32, #tpu.memory_space<vmem>>, vector<256x128xf32>,
      %broadcast_in_dim3A_58 = arith.constant 0.000000e+00 : f32
      %broadcast_in_dim3A_59 = vector.broadcast %broadcast_in_dim3A_58 : f32 to vector<256x128xf32>
      %swap3A_60 = arith.constant 0 : index
      %swap3A_61 = arith.constant 0 : index
      %swap3A_62 = vector.load %arg35[%swap3A_60, %swap3A_61] : memref<256x128xf32, #tpu.memory_space<vmem>>, vector<256x128xf32>
      tpu.vector_store %arg35[%swap3A_60, %swap3A_61], %broadcast_in_dim3A_59 {strides = array<i32>} : memref<256x128xf32, #tpu.memory_space<vmem>>, vector<256x128xf32>,
      %broadcast_in_dim3A_63 = arith.constant 0.000000e+00 : f32
      %broadcast_in_dim3A_64 = vector.broadcast %broadcast_in_dim3A_63 : f32 to vector<256x128xf32>
      %swap3A_65 = arith.constant 0 : index
      %swap3A_66 = arith.constant 0 : index
      %swap3A_67 = vector.load %arg36[%swap3A_65, %swap3A_66] : memref<256x128xf32, #tpu.memory_space<vmem>>, vector<256x128xf32>
      tpu.vector_store %arg36[%swap3A_65, %swap3A_66], %broadcast_in_dim3A_64 {strides = array<i32>} : memref<256x128xf32, #tpu.memory_space<vmem>>, vector<256x128xf32>,
      %broadcast_in_dim3A_68 = arith.constant 0.000000e+00 : f32
      %broadcast_in_dim3A_69 = vector.broadcast %broadcast_in_dim3A_68 : f32 to vector<256x128xf32>
      %swap3A_70 = arith.constant 0 : index
      %swap3A_71 = arith.constant 0 : index
      %swap3A_72 = vector.load %arg37[%swap3A_70, %swap3A_71] : memref<256x128xf32, #tpu.memory_space<vmem>>, vector<256x128xf32>
      tpu.vector_store %arg37[%swap3A_70, %swap3A_71], %broadcast_in_dim3A_69 {strides = array<i32>} : memref<256x128xf32, #tpu.memory_space<vmem>>, vector<256x128xf32>,
    } else {
    }
    %get3A = arith.constant 0 : index
    %get3A_2 = arith.constant 0 : index
    %get3A_3 = vector.load %arg1[%get3A, %get3A_2] : memref<512x1024xf32, #tpu.memory_space<vmem>>, vector<512x1024xf32>
    %get3A_4 = arith.constant 0 : index
    %get3A_5 = arith.constant 0 : index
    %get3A_6 = vector.load %arg2[%get3A_4, %get3A_5] : memref<512x1024xf32, #tpu.memory_space<vmem>>, vector<512x1024xf32>
    %get3A_7 = arith.constant 0 : index
    %get3A_8 = arith.constant 0 : index
    %get3A_9 = vector.load %arg3[%get3A_7, %get3A_8] : memref<1024x128xf32, #tpu.memory_space<vmem>>, vector<1024x128xf32>
    %slice3A = vector.extract_strided_slice %get3A_3 {offsets = [0, 0], sizes = [256, 1024], strides = [1, 1]} : vector<512x1024xf32> to vector<256x1024xf32>
    %slice3A_10 = vector.extract_strided_slice %get3A_3 {offsets = [256, 0], sizes = [256, 1024], strides = [1, 1]} : vector<512x1024xf32> to vector<256x1024xf32>
    %slice3A_11 = vector.extract_strided_slice %get3A_6 {offsets = [0, 0], sizes = [256, 1024], strides = [1, 1]} : vector<512x1024xf32> to vector<256x1024xf32>
    %slice3A_12 = vector.extract_strided_slice %get3A_6 {offsets = [256, 0], sizes = [256, 1024], strides = [1, 1]} : vector<512x1024xf32> to vector<256x1024xf32>
    %get3A_13 = arith.constant 0 : index
    %get3A_14 = arith.constant 0 : index
    %get3A_15 = vector.load %arg34[%get3A_13, %get3A_14] : memref<256x128xf32, #tpu.memory_space<vmem>>, vector<256x128xf32>
    %mul3A = arith.mulf %slice3A, %slice3A_10 : vector<256x1024xf32>
    %dot_general3A = arith.constant dense<0.000000e+00> : vector<256x128xf32>
    %dot_general3A_16 = tpu.matmul %mul3A, %get3A_9, %dot_general3A {dimension_numbers = #tpu.dot_dimension_numbers<[1], [0], [0], [1], [0, 0, 1, 1], [], []>, transpose_lhs_hint = false} : vector<256x1024xf32>, vector<1024x128xf32>, vector<256x128xf32> -> vector<256x128xf32>
    %add3A = arith.addf %get3A_15, %dot_general3A_16 : vector<256x128xf32>
    %swap3A = arith.constant 0 : index
    %swap3A_17 = arith.constant 0 : index
    %swap3A_18 = vector.load %arg34[%swap3A, %swap3A_17] : memref<256x128xf32, #tpu.memory_space<vmem>>, vector<256x128xf32>
    tpu.vector_store %arg34[%swap3A, %swap3A_17], %add3A {strides = array<i32>} : memref<256x128xf32, #tpu.memory_space<vmem>>, vector<256x128xf32>,
    %get3A_19 = arith.constant 0 : index
    %get3A_20 = arith.constant 0 : index
    %get3A_21 = vector.load %arg35[%get3A_19, %get3A_20] : memref<256x128xf32, #tpu.memory_space<vmem>>, vector<256x128xf32>
    %mul3A_22 = arith.mulf %slice3A, %slice3A_12 : vector<256x1024xf32>
    %dot_general3A_23 = arith.constant dense<0.000000e+00> : vector<256x128xf32>
    %dot_general3A_24 = tpu.matmul %mul3A_22, %get3A_9, %dot_general3A_23 {dimension_numbers = #tpu.dot_dimension_numbers<[1], [0], [0], [1], [0, 0, 1, 1], [], []>, transpose_lhs_hint = false} : vector<256x1024xf32>, vector<1024x128xf32>, vector<256x128xf32> -> vector<256x128xf32>
    %add3A_25 = arith.addf %get3A_21, %dot_general3A_24 : vector<256x128xf32>
    %swap3A_26 = arith.constant 0 : index
    %swap3A_27 = arith.constant 0 : index
    %swap3A_28 = vector.load %arg35[%swap3A_26, %swap3A_27] : memref<256x128xf32, #tpu.memory_space<vmem>>, vector<256x128xf32>
    tpu.vector_store %arg35[%swap3A_26, %swap3A_27], %add3A_25 {strides = array<i32>} : memref<256x128xf32, #tpu.memory_space<vmem>>, vector<256x128xf32>,
    %get3A_29 = arith.constant 0 : index
    %get3A_30 = arith.constant 0 : index
    %get3A_31 = vector.load %arg36[%get3A_29, %get3A_30] : memref<256x128xf32, #tpu.memory_space<vmem>>, vector<256x128xf32>
    %mul3A_32 = arith.mulf %slice3A_11, %slice3A_10 : vector<256x1024xf32>
    %dot_general3A_33 = arith.constant dense<0.000000e+00> : vector<256x128xf32>
    %dot_general3A_34 = tpu.matmul %mul3A_32, %get3A_9, %dot_general3A_33 {dimension_numbers = #tpu.dot_dimension_numbers<[1], [0], [0], [1], [0, 0, 1, 1], [], []>, transpose_lhs_hint = false} : vector<256x1024xf32>, vector<1024x128xf32>, vector<256x128xf32> -> vector<256x128xf32>
    %add3A_35 = arith.addf %get3A_31, %dot_general3A_34 : vector<256x128xf32>
    %swap3A_36 = arith.constant 0 : index
    %swap3A_37 = arith.constant 0 : index
    %swap3A_38 = vector.load %arg36[%swap3A_36, %swap3A_37] : memref<256x128xf32, #tpu.memory_space<vmem>>, vector<256x128xf32>
    tpu.vector_store %arg36[%swap3A_36, %swap3A_37], %add3A_35 {strides = array<i32>} : memref<256x128xf32, #tpu.memory_space<vmem>>, vector<256x128xf32>,
    %get3A_39 = arith.constant 0 : index
    %get3A_40 = arith.constant 0 : index
    %get3A_41 = vector.load %arg37[%get3A_39, %get3A_40] : memref<256x128xf32, #tpu.memory_space<vmem>>, vector<256x128xf32>
    %mul3A_42 = arith.mulf %slice3A_11, %slice3A_12 : vector<256x1024xf32>
    %dot_general3A_43 = arith.constant dense<0.000000e+00> : vector<256x128xf32>
    %dot_general3A_44 = tpu.matmul %mul3A_42, %get3A_9, %dot_general3A_43 {dimension_numbers = #tpu.dot_dimension_numbers<[1], [0], [0], [1], [0, 0, 1, 1], [], []>, transpose_lhs_hint = false} : vector<256x1024xf32>, vector<1024x128xf32>, vector<256x128xf32> -> vector<256x128xf32>
    %add3A_45 = arith.addf %get3A_41, %dot_general3A_44 : vector<256x128xf32>
    %swap3A_46 = arith.constant 0 : index
    %swap3A_47 = arith.constant 0 : index
    %swap3A_48 = vector.load %arg37[%swap3A_46, %swap3A_47] : memref<256x128xf32, #tpu.memory_space<vmem>>, vector<256x128xf32>
    tpu.vector_store %arg37[%swap3A_46, %swap3A_47], %add3A_45 {strides = array<i32>} : memref<256x128xf32, #tpu.memory_space<vmem>>, vector<256x128xf32>,
    %eq3A_49 = arith.constant 9 : i32
    %eq3A_50 = arith.cmpi eq, %arg0, %eq3A_49 : i32
    %convert_element_type3A_51 = arith.extui %eq3A_50 : i1 to i32
    %cond3A_52 = arith.constant 0 : i32
    %cond3A_53 = arith.cmpi ne, %convert_element_type3A_51, %cond3A_52 : i32
    scf.if %cond3A_53 {
      %get3A_54 = arith.constant 0 : index
      %get3A_55 = arith.constant 0 : index
      %get3A_56 = vector.load %arg34[%get3A_54, %get3A_55] : memref<256x128xf32, #tpu.memory_space<vmem>>, vector<256x128xf32>
      %get3A_57 = arith.constant 0 : index
      %get3A_58 = arith.constant 0 : index
      %get3A_59 = vector.load %arg5[%get3A_57, %get3A_58] : memref<128x256xf32, #tpu.memory_space<vmem>>, vector<128x256xf32>
      %dot_general3A_60 = arith.constant dense<0.000000e+00> : vector<256x256xf32>
      %dot_general3A_61 = tpu.matmul %get3A_56, %get3A_59, %dot_general3A_60 {dimension_numbers = #tpu.dot_dimension_numbers<[1], [0], [0], [1], [0, 0, 1, 1], [], []>, transpose_lhs_hint = false} : vector<256x128xf32>, vector<128x256xf32>, vector<256x256xf32> -> vector<256x256xf32>
      %get3A_62 = arith.constant 0 : index
      %get3A_63 = arith.constant 0 : index
      %get3A_64 = vector.load %arg6[%get3A_62, %get3A_63] : memref<1x256xf32, #tpu.memory_space<vmem>>, vector<1x256xf32>
      %add3A_65 = vector.broadcast %get3A_64 : vector<1x256xf32> to vector<256x256xf32>
      %add3A_66 = arith.addf %dot_general3A_61, %add3A_65 : vector<256x256xf32>
      %max3A = arith.constant 0.000000e+00 : f32
      %max3A_67 = vector.broadcast %max3A : f32 to vector<256x256xf32>
      %max3A_68 = arith.maximumf %add3A_66, %max3A_67 : vector<256x256xf32>
      %get3A_69 = arith.constant 0 : index
      %get3A_70 = arith.constant 0 : index
      %get3A_71 = vector.load %arg7[%get3A_69, %get3A_70] : memref<256x256xf32, #tpu.memory_space<vmem>>, vector<256x256xf32>
      %dot_general3A_72 = arith.constant dense<0.000000e+00> : vector<256x256xf32>
      %dot_general3A_73 = tpu.matmul %max3A_68, %get3A_71, %dot_general3A_72 {dimension_numbers = #tpu.dot_dimension_numbers<[1], [0], [0], [1], [0, 0, 1, 1], [], []>, transpose_lhs_hint = false} : vector<256x256xf32>, vector<256x256xf32>, vector<256x256xf32> -> vector<256x256xf32>
      %get3A_74 = arith.constant 0 : index
      %get3A_75 = arith.constant 0 : index
      %get3A_76 = vector.load %arg8[%get3A_74, %get3A_75] : memref<1x256xf32, #tpu.memory_space<vmem>>, vector<1x256xf32>
      %add3A_77 = vector.broadcast %get3A_76 : vector<1x256xf32> to vector<256x256xf32>
      %add3A_78 = arith.addf %dot_general3A_73, %add3A_77 : vector<256x256xf32>
      %max3A_79 = arith.constant 0.000000e+00 : f32
      %max3A_80 = vector.broadcast %max3A_79 : f32 to vector<256x256xf32>
      %max3A_81 = arith.maximumf %add3A_78, %max3A_80 : vector<256x256xf32>
      %get3A_82 = arith.constant 0 : index
      %get3A_83 = arith.constant 0 : index
      %get3A_84 = vector.load %arg9[%get3A_82, %get3A_83] : memref<256x256xf32, #tpu.memory_space<vmem>>, vector<256x256xf32>
      %dot_general3A_85 = arith.constant dense<0.000000e+00> : vector<256x256xf32>
      %dot_general3A_86 = tpu.matmul %max3A_81, %get3A_84, %dot_general3A_85 {dimension_numbers = #tpu.dot_dimension_numbers<[1], [0], [0], [1], [0, 0, 1, 1], [], []>, transpose_lhs_hint = false} : vector<256x256xf32>, vector<256x256xf32>, vector<256x256xf32> -> vector<256x256xf32>
      %get3A_87 = arith.constant 0 : index
      %get3A_88 = arith.constant 0 : index
      %get3A_89 = vector.load %arg10[%get3A_87, %get3A_88] : memref<1x256xf32, #tpu.memory_space<vmem>>, vector<1x256xf32>
      %add3A_90 = vector.broadcast %get3A_89 : vector<1x256xf32> to vector<256x256xf32>
      %add3A_91 = arith.addf %dot_general3A_86, %add3A_90 : vector<256x256xf32>
      %get3A_92 = arith.constant 0 : index
      %get3A_93 = arith.constant 0 : index
      %get3A_94 = vector.load %arg35[%get3A_92, %get3A_93] : memref<256x128xf32, #tpu.memory_space<vmem>>, vector<256x128xf32>
      %get3A_95 = arith.constant 0 : index
      %get3A_96 = arith.constant 0 : index
      %get3A_97 = vector.load %arg11[%get3A_95, %get3A_96] : memref<128x256xf32, #tpu.memory_space<vmem>>, vector<128x256xf32>
      %dot_general3A_98 = arith.constant dense<0.000000e+00> : vector<256x256xf32>
      %dot_general3A_99 = tpu.matmul %get3A_94, %get3A_97, %dot_general3A_98 {dimension_numbers = #tpu.dot_dimension_numbers<[1], [0], [0], [1], [0, 0, 1, 1], [], []>, transpose_lhs_hint = false} : vector<256x128xf32>, vector<128x256xf32>, vector<256x256xf32> -> vector<256x256xf32>
      %get3A_100 = arith.constant 0 : index
      %get3A_101 = arith.constant 0 : index
      %get3A_102 = vector.load %arg12[%get3A_100, %get3A_101] : memref<1x256xf32, #tpu.memory_space<vmem>>, vector<1x256xf32>
      %add3A_103 = vector.broadcast %get3A_102 : vector<1x256xf32> to vector<256x256xf32>
      %add3A_104 = arith.addf %dot_general3A_99, %add3A_103 : vector<256x256xf32>
      %max3A_105 = arith.constant 0.000000e+00 : f32
      %max3A_106 = vector.broadcast %max3A_105 : f32 to vector<256x256xf32>
      %max3A_107 = arith.maximumf %add3A_104, %max3A_106 : vector<256x256xf32>
      %get3A_108 = arith.constant 0 : index
      %get3A_109 = arith.constant 0 : index
      %get3A_110 = vector.load %arg13[%get3A_108, %get3A_109] : memref<256x256xf32, #tpu.memory_space<vmem>>, vector<256x256xf32>
      %dot_general3A_111 = arith.constant dense<0.000000e+00> : vector<256x256xf32>
      %dot_general3A_112 = tpu.matmul %max3A_107, %get3A_110, %dot_general3A_111 {dimension_numbers = #tpu.dot_dimension_numbers<[1], [0], [0], [1], [0, 0, 1, 1], [], []>, transpose_lhs_hint = false} : vector<256x256xf32>, vector<256x256xf32>, vector<256x256xf32> -> vector<256x256xf32>
      %get3A_113 = arith.constant 0 : index
      %get3A_114 = arith.constant 0 : index
      %get3A_115 = vector.load %arg14[%get3A_113, %get3A_114] : memref<1x256xf32, #tpu.memory_space<vmem>>, vector<1x256xf32>
      %add3A_116 = vector.broadcast %get3A_115 : vector<1x256xf32> to vector<256x256xf32>
      %add3A_117 = arith.addf %dot_general3A_112, %add3A_116 : vector<256x256xf32>
      %max3A_118 = arith.constant 0.000000e+00 : f32
      %max3A_119 = vector.broadcast %max3A_118 : f32 to vector<256x256xf32>
      %max3A_120 = arith.maximumf %add3A_117, %max3A_119 : vector<256x256xf32>
      %get3A_121 = arith.constant 0 : index
      %get3A_122 = arith.constant 0 : index
      %get3A_123 = vector.load %arg15[%get3A_121, %get3A_122] : memref<256x256xf32, #tpu.memory_space<vmem>>, vector<256x256xf32>
      %dot_general3A_124 = arith.constant dense<0.000000e+00> : vector<256x256xf32>
      %dot_general3A_125 = tpu.matmul %max3A_120, %get3A_123, %dot_general3A_124 {dimension_numbers = #tpu.dot_dimension_numbers<[1], [0], [0], [1], [0, 0, 1, 1], [], []>, transpose_lhs_hint = false} : vector<256x256xf32>, vector<256x256xf32>, vector<256x256xf32> -> vector<256x256xf32>
      %get3A_126 = arith.constant 0 : index
      %get3A_127 = arith.constant 0 : index
      %get3A_128 = vector.load %arg16[%get3A_126, %get3A_127] : memref<1x256xf32, #tpu.memory_space<vmem>>, vector<1x256xf32>
      %add3A_129 = vector.broadcast %get3A_128 : vector<1x256xf32> to vector<256x256xf32>
      %add3A_130 = arith.addf %dot_general3A_125, %add3A_129 : vector<256x256xf32>
      %get3A_131 = arith.constant 0 : index
      %get3A_132 = arith.constant 0 : index
      %get3A_133 = vector.load %arg36[%get3A_131, %get3A_132] : memref<256x128xf32, #tpu.memory_space<vmem>>, vector<256x128xf32>
      %get3A_134 = arith.constant 0 : index
      %get3A_135 = arith.constant 0 : index
      %get3A_136 = vector.load %arg11[%get3A_134, %get3A_135] : memref<128x256xf32, #tpu.memory_space<vmem>>, vector<128x256xf32>
      %dot_general3A_137 = arith.constant dense<0.000000e+00> : vector<256x256xf32>
      %dot_general3A_138 = tpu.matmul %get3A_133, %get3A_136, %dot_general3A_137 {dimension_numbers = #tpu.dot_dimension_numbers<[1], [0], [0], [1], [0, 0, 1, 1], [], []>, transpose_lhs_hint = false} : vector<256x128xf32>, vector<128x256xf32>, vector<256x256xf32> -> vector<256x256xf32>
      %get3A_139 = arith.constant 0 : index
      %get3A_140 = arith.constant 0 : index
      %get3A_141 = vector.load %arg12[%get3A_139, %get3A_140] : memref<1x256xf32, #tpu.memory_space<vmem>>, vector<1x256xf32>
      %add3A_142 = vector.broadcast %get3A_141 : vector<1x256xf32> to vector<256x256xf32>
      %add3A_143 = arith.addf %dot_general3A_138, %add3A_142 : vector<256x256xf32>
      %max3A_144 = arith.constant 0.000000e+00 : f32
      %max3A_145 = vector.broadcast %max3A_144 : f32 to vector<256x256xf32>
      %max3A_146 = arith.maximumf %add3A_143, %max3A_145 : vector<256x256xf32>
      %get3A_147 = arith.constant 0 : index
      %get3A_148 = arith.constant 0 : index
      %get3A_149 = vector.load %arg13[%get3A_147, %get3A_148] : memref<256x256xf32, #tpu.memory_space<vmem>>, vector<256x256xf32>
      %dot_general3A_150 = arith.constant dense<0.000000e+00> : vector<256x256xf32>
      %dot_general3A_151 = tpu.matmul %max3A_146, %get3A_149, %dot_general3A_150 {dimension_numbers = #tpu.dot_dimension_numbers<[1], [0], [0], [1], [0, 0, 1, 1], [], []>, transpose_lhs_hint = false} : vector<256x256xf32>, vector<256x256xf32>, vector<256x256xf32> -> vector<256x256xf32>
      %get3A_152 = arith.constant 0 : index
      %get3A_153 = arith.constant 0 : index
      %get3A_154 = vector.load %arg14[%get3A_152, %get3A_153] : memref<1x256xf32, #tpu.memory_space<vmem>>, vector<1x256xf32>
      %add3A_155 = vector.broadcast %get3A_154 : vector<1x256xf32> to vector<256x256xf32>
      %add3A_156 = arith.addf %dot_general3A_151, %add3A_155 : vector<256x256xf32>
      %max3A_157 = arith.constant 0.000000e+00 : f32
      %max3A_158 = vector.broadcast %max3A_157 : f32 to vector<256x256xf32>
      %max3A_159 = arith.maximumf %add3A_156, %max3A_158 : vector<256x256xf32>
      %get3A_160 = arith.constant 0 : index
      %get3A_161 = arith.constant 0 : index
      %get3A_162 = vector.load %arg15[%get3A_160, %get3A_161] : memref<256x256xf32, #tpu.memory_space<vmem>>, vector<256x256xf32>
      %dot_general3A_163 = arith.constant dense<0.000000e+00> : vector<256x256xf32>
      %dot_general3A_164 = tpu.matmul %max3A_159, %get3A_162, %dot_general3A_163 {dimension_numbers = #tpu.dot_dimension_numbers<[1], [0], [0], [1], [0, 0, 1, 1], [], []>, transpose_lhs_hint = false} : vector<256x256xf32>, vector<256x256xf32>, vector<256x256xf32> -> vector<256x256xf32>
      %get3A_165 = arith.constant 0 : index
      %get3A_166 = arith.constant 0 : index
      %get3A_167 = vector.load %arg16[%get3A_165, %get3A_166] : memref<1x256xf32, #tpu.memory_space<vmem>>, vector<1x256xf32>
      %add3A_168 = vector.broadcast %get3A_167 : vector<1x256xf32> to vector<256x256xf32>
      %add3A_169 = arith.addf %dot_general3A_164, %add3A_168 : vector<256x256xf32>
      %get3A_170 = arith.constant 0 : index
      %get3A_171 = arith.constant 0 : index
      %get3A_172 = vector.load %arg37[%get3A_170, %get3A_171] : memref<256x128xf32, #tpu.memory_space<vmem>>, vector<256x128xf32>
      %get3A_173 = arith.constant 0 : index
      %get3A_174 = arith.constant 0 : index
      %get3A_175 = vector.load %arg17[%get3A_173, %get3A_174] : memref<128x256xf32, #tpu.memory_space<vmem>>, vector<128x256xf32>
      %dot_general3A_176 = arith.constant dense<0.000000e+00> : vector<256x256xf32>
      %dot_general3A_177 = tpu.matmul %get3A_172, %get3A_175, %dot_general3A_176 {dimension_numbers = #tpu.dot_dimension_numbers<[1], [0], [0], [1], [0, 0, 1, 1], [], []>, transpose_lhs_hint = false} : vector<256x128xf32>, vector<128x256xf32>, vector<256x256xf32> -> vector<256x256xf32>
      %get3A_178 = arith.constant 0 : index
      %get3A_179 = arith.constant 0 : index
      %get3A_180 = vector.load %arg18[%get3A_178, %get3A_179] : memref<1x256xf32, #tpu.memory_space<vmem>>, vector<1x256xf32>
      %add3A_181 = vector.broadcast %get3A_180 : vector<1x256xf32> to vector<256x256xf32>
      %add3A_182 = arith.addf %dot_general3A_177, %add3A_181 : vector<256x256xf32>
      %max3A_183 = arith.constant 0.000000e+00 : f32
      %max3A_184 = vector.broadcast %max3A_183 : f32 to vector<256x256xf32>
      %max3A_185 = arith.maximumf %add3A_182, %max3A_184 : vector<256x256xf32>
      %get3A_186 = arith.constant 0 : index
      %get3A_187 = arith.constant 0 : index
      %get3A_188 = vector.load %arg19[%get3A_186, %get3A_187] : memref<256x256xf32, #tpu.memory_space<vmem>>, vector<256x256xf32>
      %dot_general3A_189 = arith.constant dense<0.000000e+00> : vector<256x256xf32>
      %dot_general3A_190 = tpu.matmul %max3A_185, %get3A_188, %dot_general3A_189 {dimension_numbers = #tpu.dot_dimension_numbers<[1], [0], [0], [1], [0, 0, 1, 1], [], []>, transpose_lhs_hint = false} : vector<256x256xf32>, vector<256x256xf32>, vector<256x256xf32> -> vector<256x256xf32>
      %get3A_191 = arith.constant 0 : index
      %get3A_192 = arith.constant 0 : index
      %get3A_193 = vector.load %arg20[%get3A_191, %get3A_192] : memref<1x256xf32, #tpu.memory_space<vmem>>, vector<1x256xf32>
      %add3A_194 = vector.broadcast %get3A_193 : vector<1x256xf32> to vector<256x256xf32>
      %add3A_195 = arith.addf %dot_general3A_190, %add3A_194 : vector<256x256xf32>
      %max3A_196 = arith.constant 0.000000e+00 : f32
      %max3A_197 = vector.broadcast %max3A_196 : f32 to vector<256x256xf32>
      %max3A_198 = arith.maximumf %add3A_195, %max3A_197 : vector<256x256xf32>
      %get3A_199 = arith.constant 0 : index
      %get3A_200 = arith.constant 0 : index
      %get3A_201 = vector.load %arg21[%get3A_199, %get3A_200] : memref<256x256xf32, #tpu.memory_space<vmem>>, vector<256x256xf32>
      %dot_general3A_202 = arith.constant dense<0.000000e+00> : vector<256x256xf32>
      %dot_general3A_203 = tpu.matmul %max3A_198, %get3A_201, %dot_general3A_202 {dimension_numbers = #tpu.dot_dimension_numbers<[1], [0], [0], [1], [0, 0, 1, 1], [], []>, transpose_lhs_hint = false} : vector<256x256xf32>, vector<256x256xf32>, vector<256x256xf32> -> vector<256x256xf32>
      %get3A_204 = arith.constant 0 : index
      %get3A_205 = arith.constant 0 : index
      %get3A_206 = vector.load %arg22[%get3A_204, %get3A_205] : memref<1x256xf32, #tpu.memory_space<vmem>>, vector<1x256xf32>
      %add3A_207 = vector.broadcast %get3A_206 : vector<1x256xf32> to vector<256x256xf32>
      %add3A_208 = arith.addf %dot_general3A_203, %add3A_207 : vector<256x256xf32>
      %get3A_209 = arith.constant 0 : index
      %get3A_210 = arith.constant 0 : index
      %get3A_211 = vector.load %arg4[%get3A_209, %get3A_210] : memref<512x128xf32, #tpu.memory_space<vmem>>, vector<512x128xf32>
      %slice3A_212 = vector.extract_strided_slice %get3A_211 {offsets = [0, 0], sizes = [256, 128], strides = [1, 1]} : vector<512x128xf32> to vector<256x128xf32>
      %slice3A_213 = vector.extract_strided_slice %get3A_211 {offsets = [256, 0], sizes = [256, 128], strides = [1, 1]} : vector<512x128xf32> to vector<256x128xf32>
      %mul3A_214 = arith.mulf %slice3A_212, %slice3A_213 : vector<256x128xf32>
      %get3A_215 = arith.constant 0 : index
      %get3A_216 = arith.constant 0 : index
      %get3A_217 = vector.load %arg23[%get3A_215, %get3A_216] : memref<128x256xf32, #tpu.memory_space<vmem>>, vector<128x256xf32>
      %dot_general3A_218 = arith.constant dense<0.000000e+00> : vector<256x256xf32>
      %dot_general3A_219 = tpu.matmul %mul3A_214, %get3A_217, %dot_general3A_218 {dimension_numbers = #tpu.dot_dimension_numbers<[1], [0], [0], [1], [0, 0, 1, 1], [], []>, transpose_lhs_hint = false} : vector<256x128xf32>, vector<128x256xf32>, vector<256x256xf32> -> vector<256x256xf32>
      %get3A_220 = arith.constant 0 : index
      %get3A_221 = arith.constant 0 : index
      %get3A_222 = vector.load %arg24[%get3A_220, %get3A_221] : memref<1x256xf32, #tpu.memory_space<vmem>>, vector<1x256xf32>
      %add3A_223 = vector.broadcast %get3A_222 : vector<1x256xf32> to vector<256x256xf32>
      %add3A_224 = arith.addf %dot_general3A_219, %add3A_223 : vector<256x256xf32>
      %max3A_225 = arith.constant 0.000000e+00 : f32
      %max3A_226 = vector.broadcast %max3A_225 : f32 to vector<256x256xf32>
      %max3A_227 = arith.maximumf %add3A_224, %max3A_226 : vector<256x256xf32>
      %get3A_228 = arith.constant 0 : index
      %get3A_229 = arith.constant 0 : index
      %get3A_230 = vector.load %arg25[%get3A_228, %get3A_229] : memref<256x256xf32, #tpu.memory_space<vmem>>, vector<256x256xf32>
      %dot_general3A_231 = arith.constant dense<0.000000e+00> : vector<256x256xf32>
      %dot_general3A_232 = tpu.matmul %max3A_227, %get3A_230, %dot_general3A_231 {dimension_numbers = #tpu.dot_dimension_numbers<[1], [0], [0], [1], [0, 0, 1, 1], [], []>, transpose_lhs_hint = false} : vector<256x256xf32>, vector<256x256xf32>, vector<256x256xf32> -> vector<256x256xf32>
      %get3A_233 = arith.constant 0 : index
      %get3A_234 = arith.constant 0 : index
      %get3A_235 = vector.load %arg26[%get3A_233, %get3A_234] : memref<1x256xf32, #tpu.memory_space<vmem>>, vector<1x256xf32>
      %add3A_236 = vector.broadcast %get3A_235 : vector<1x256xf32> to vector<256x256xf32>
      %add3A_237 = arith.addf %dot_general3A_232, %add3A_236 : vector<256x256xf32>
      %get3A_238 = arith.constant 0 : index
      %get3A_239 = arith.constant 0 : index
      %get3A_240 = vector.load %arg31[%get3A_238, %get3A_239] : memref<1x3xf32, #tpu.memory_space<vmem>>, vector<1x3xf32>
      %logistic3A = arith.negf %get3A_240 : vector<1x3xf32>
      %logistic3A_241 = math.exp %logistic3A : vector<1x3xf32>
      %logistic3A_242 = arith.constant 1.000000e+00 : f32
      %logistic3A_243 = vector.broadcast %logistic3A_242 : f32 to vector<1x3xf32>
      %logistic3A_244 = arith.addf %logistic3A_243, %logistic3A_241 : vector<1x3xf32>
      %logistic3A_245 = arith.divf %logistic3A_243, %logistic3A_244 : vector<1x3xf32>
      %slice3A_246 = vector.extract_strided_slice %logistic3A_245 {offsets = [0, 0], sizes = [1, 1], strides = [1, 1]} : vector<1x3xf32> to vector<1x1xf32>
      %squeeze3A = vector.extract %slice3A_246[0, 0] : f32 from vector<1x1xf32>
      %slice3A_247 = vector.extract_strided_slice %logistic3A_245 {offsets = [0, 1], sizes = [1, 1], strides = [1, 1]} : vector<1x3xf32> to vector<1x1xf32>
      %squeeze3A_248 = vector.extract %slice3A_247[0, 0] : f32 from vector<1x1xf32>
      %mul3A_249 = arith.mulf %squeeze3A, %squeeze3A_248 : f32
      %slice3A_250 = vector.extract_strided_slice %logistic3A_245 {offsets = [0, 2], sizes = [1, 1], strides = [1, 1]} : vector<1x3xf32> to vector<1x1xf32>
      %squeeze3A_251 = vector.extract %slice3A_250[0, 0] : f32 from vector<1x1xf32>
      %mul3A_252 = arith.mulf %mul3A_249, %squeeze3A_251 : f32
      %mul3A_253 = vector.broadcast %squeeze3A : f32 to vector<256x256xf32>
      %mul3A_254 = arith.mulf %mul3A_253, %add3A_91 : vector<256x256xf32>
      %mul3A_255 = vector.broadcast %mul3A_249 : f32 to vector<256x256xf32>
      %mul3A_256 = arith.mulf %mul3A_255, %add3A_130 : vector<256x256xf32>
      %mul3A_257 = arith.mulf %mul3A_256, %add3A_169 : vector<256x256xf32>
      %add3A_258 = arith.addf %mul3A_254, %mul3A_257 : vector<256x256xf32>
      %mul3A_259 = vector.broadcast %mul3A_252 : f32 to vector<256x256xf32>
      %mul3A_260 = arith.mulf %mul3A_259, %add3A_208 : vector<256x256xf32>
      %add3A_261 = arith.addf %add3A_258, %mul3A_260 : vector<256x256xf32>
      %get3A_262 = arith.constant 0 : index
      %get3A_263 = arith.constant 0 : index
      %get3A_264 = vector.load %arg32[%get3A_262, %get3A_263] : memref<1x1xf32, #tpu.memory_space<vmem>>, vector<1x1xf32>
      %get3A_265 = vector.extract %get3A_264[0, 0] : f32 from vector<1x1xf32>
      %mul3A_266 = vector.broadcast %get3A_265 : f32 to vector<256x256xf32>
      %mul3A_267 = arith.mulf %mul3A_266, %add3A_237 : vector<256x256xf32>
      %add3A_268 = arith.addf %add3A_261, %mul3A_267 : vector<256x256xf32>
      %get3A_269 = arith.constant 0 : index
      %get3A_270 = arith.constant 0 : index
      %get3A_271 = vector.load %arg27[%get3A_269, %get3A_270] : memref<256x256xf32, #tpu.memory_space<vmem>>, vector<256x256xf32>
      %dot_general3A_272 = arith.constant dense<0.000000e+00> : vector<256x256xf32>
      %dot_general3A_273 = tpu.matmul %add3A_268, %get3A_271, %dot_general3A_272 {dimension_numbers = #tpu.dot_dimension_numbers<[1], [0], [0], [1], [0, 0, 1, 1], [], []>, transpose_lhs_hint = false} : vector<256x256xf32>, vector<256x256xf32>, vector<256x256xf32> -> vector<256x256xf32>
      %get3A_274 = arith.constant 0 : index
      %get3A_275 = arith.constant 0 : index
      %get3A_276 = vector.load %arg28[%get3A_274, %get3A_275] : memref<1x256xf32, #tpu.memory_space<vmem>>, vector<1x256xf32>
      %add3A_277 = vector.broadcast %get3A_276 : vector<1x256xf32> to vector<256x256xf32>
      %add3A_278 = arith.addf %dot_general3A_273, %add3A_277 : vector<256x256xf32>
      %max3A_279 = arith.constant 0.000000e+00 : f32
      %max3A_280 = vector.broadcast %max3A_279 : f32 to vector<256x256xf32>
      %max3A_281 = arith.maximumf %add3A_278, %max3A_280 : vector<256x256xf32>
      %get3A_282 = arith.constant 0 : index
      %get3A_283 = arith.constant 0 : index
      %get3A_284 = vector.load %arg29[%get3A_282, %get3A_283] : memref<256x128xf32, #tpu.memory_space<vmem>>, vector<256x128xf32>
      %dot_general3A_285 = arith.constant dense<0.000000e+00> : vector<256x128xf32>
      %dot_general3A_286 = tpu.matmul %max3A_281, %get3A_284, %dot_general3A_285 {dimension_numbers = #tpu.dot_dimension_numbers<[1], [0], [0], [1], [0, 0, 1, 1], [], []>, transpose_lhs_hint = false} : vector<256x256xf32>, vector<256x128xf32>, vector<256x128xf32> -> vector<256x128xf32>
      %get3A_287 = arith.constant 0 : index
      %get3A_288 = arith.constant 0 : index
      %get3A_289 = vector.load %arg30[%get3A_287, %get3A_288] : memref<1x128xf32, #tpu.memory_space<vmem>>, vector<1x128xf32>
      %add3A_290 = vector.broadcast %get3A_289 : vector<1x128xf32> to vector<256x128xf32>
      %add3A_291 = arith.addf %dot_general3A_286, %add3A_290 : vector<256x128xf32>
      %swap3A_292 = arith.constant 0 : index
      %swap3A_293 = arith.constant 0 : index
      %swap3A_294 = vector.load %arg33[%swap3A_292, %swap3A_293] : memref<256x128xf32, #tpu.memory_space<vmem>>, vector<256x128xf32>
      tpu.vector_store %arg33[%swap3A_292, %swap3A_293], %add3A_291 {strides = array<i32>} : memref<256x128xf32, #tpu.memory_space<vmem>>, vector<256x128xf32>,
    } else {
    }
    return
  }
  func.func @transform_0(%arg0: i32) -> (i32, i32) {
    %c0_i32 = arith.constant 0 : i32
    %c0_i32_0 = arith.constant 0 : i32
    return %c0_i32, %arg0 : i32, i32
  }
  func.func @transform_1(%arg0: i32) -> (i32, i32) {
    %c0_i32 = arith.constant 0 : i32
    %c0_i32_0 = arith.constant 0 : i32
    return %c0_i32, %arg0 : i32, i32
  }
  func.func @transform_2(%arg0: i32) -> (i32, i32) {
    %c0_i32 = arith.constant 0 : i32
    %c0_i32_0 = arith.constant 0 : i32
    return %arg0, %c0_i32 : i32, i32
  }
  func.func @transform_3(%arg0: i32) -> (i32, i32) {
    %c0_i32 = arith.constant 0 : i32
    %c0_i32_0 = arith.constant 0 : i32
    %c0_i32_1 = arith.constant 0 : i32
    return %c0_i32, %c0_i32_0 : i32, i32
  }
  func.func @transform_4(%arg0: i32) -> (i32, i32) {
    %c0_i32 = arith.constant 0 : i32
    %c0_i32_0 = arith.constant 0 : i32
    %c0_i32_1 = arith.constant 0 : i32
    return %c0_i32, %c0_i32_0 : i32, i32
  }
  func.func @transform_5(%arg0: i32) -> (i32, i32) {
    %c0_i32 = arith.constant 0 : i32
    %c0_i32_0 = arith.constant 0 : i32
    %c0_i32_1 = arith.constant 0 : i32
    return %c0_i32, %c0_i32_0 : i32, i32
  }
  func.func @transform_6(%arg0: i32) -> (i32, i32) {
    %c0_i32 = arith.constant 0 : i32
    %c0_i32_0 = arith.constant 0 : i32
    %c0_i32_1 = arith.constant 0 : i32
    return %c0_i32, %c0_i32_0 : i32, i32
  }
  func.func @transform_7(%arg0: i32) -> (i32, i32) {
    %c0_i32 = arith.constant 0 : i32
    %c0_i32_0 = arith.constant 0 : i32
    %c0_i32_1 = arith.constant 0 : i32
    return %c0_i32, %c0_i32_0 : i32, i32
  }
  func.func @transform_8(%arg0: i32) -> (i32, i32) {
    %c0_i32 = arith.constant 0 : i32
    %c0_i32_0 = arith.constant 0 : i32
    %c0_i32_1 = arith.constant 0 : i32
    return %c0_i32, %c0_i32_0 : i32, i32
  }
  func.func @transform_9(%arg0: i32) -> (i32, i32) {
    %c0_i32 = arith.constant 0 : i32
    %c0_i32_0 = arith.constant 0 : i32
    %c0_i32_1 = arith.constant 0 : i32
    return %c0_i32, %c0_i32_0 : i32, i32
  }
  func.func @transform_10(%arg0: i32) -> (i32, i32) {
    %c0_i32 = arith.constant 0 : i32
    %c0_i32_0 = arith.constant 0 : i32
    %c0_i32_1 = arith.constant 0 : i32
    return %c0_i32, %c0_i32_0 : i32, i32
  }
  func.func @transform_11(%arg0: i32) -> (i32, i32) {
    %c0_i32 = arith.constant 0 : i32
    %c0_i32_0 = arith.constant 0 : i32
    %c0_i32_1 = arith.constant 0 : i32
    return %c0_i32, %c0_i32_0 : i32, i32
  }
  func.func @transform_12(%arg0: i32) -> (i32, i32) {
    %c0_i32 = arith.constant 0 : i32
    %c0_i32_0 = arith.constant 0 : i32
    %c0_i32_1 = arith.constant 0 : i32
    return %c0_i32, %c0_i32_0 : i32, i32
  }
  func.func @transform_13(%arg0: i32) -> (i32, i32) {
    %c0_i32 = arith.constant 0 : i32
    %c0_i32_0 = arith.constant 0 : i32
    %c0_i32_1 = arith.constant 0 : i32
    return %c0_i32, %c0_i32_0 : i32, i32
  }
  func.func @transform_14(%arg0: i32) -> (i32, i32) {
    %c0_i32 = arith.constant 0 : i32
    %c0_i32_0 = arith.constant 0 : i32
    %c0_i32_1 = arith.constant 0 : i32
    return %c0_i32, %c0_i32_0 : i32, i32
  }
  func.func @transform_15(%arg0: i32) -> (i32, i32) {
    %c0_i32 = arith.constant 0 : i32
    %c0_i32_0 = arith.constant 0 : i32
    %c0_i32_1 = arith.constant 0 : i32
    return %c0_i32, %c0_i32_0 : i32, i32
  }
  func.func @transform_16(%arg0: i32) -> (i32, i32) {
    %c0_i32 = arith.constant 0 : i32
    %c0_i32_0 = arith.constant 0 : i32
    %c0_i32_1 = arith.constant 0 : i32
    return %c0_i32, %c0_i32_0 : i32, i32
  }
  func.func @transform_17(%arg0: i32) -> (i32, i32) {
    %c0_i32 = arith.constant 0 : i32
    %c0_i32_0 = arith.constant 0 : i32
    %c0_i32_1 = arith.constant 0 : i32
    return %c0_i32, %c0_i32_0 : i32, i32
  }
  func.func @transform_18(%arg0: i32) -> (i32, i32) {
    %c0_i32 = arith.constant 0 : i32
    %c0_i32_0 = arith.constant 0 : i32
    %c0_i32_1 = arith.constant 0 : i32
    return %c0_i32, %c0_i32_0 : i32, i32
  }
  func.func @transform_19(%arg0: i32) -> (i32, i32) {
    %c0_i32 = arith.constant 0 : i32
    %c0_i32_0 = arith.constant 0 : i32
    %c0_i32_1 = arith.constant 0 : i32
    return %c0_i32, %c0_i32_0 : i32, i32
  }
  func.func @transform_20(%arg0: i32) -> (i32, i32) {
    %c0_i32 = arith.constant 0 : i32
    %c0_i32_0 = arith.constant 0 : i32
    %c0_i32_1 = arith.constant 0 : i32
    return %c0_i32, %c0_i32_0 : i32, i32
  }
  func.func @transform_21(%arg0: i32) -> (i32, i32) {
    %c0_i32 = arith.constant 0 : i32
    %c0_i32_0 = arith.constant 0 : i32
    %c0_i32_1 = arith.constant 0 : i32
    return %c0_i32, %c0_i32_0 : i32, i32
  }
  func.func @transform_22(%arg0: i32) -> (i32, i32) {
    %c0_i32 = arith.constant 0 : i32
    %c0_i32_0 = arith.constant 0 : i32
    %c0_i32_1 = arith.constant 0 : i32
    return %c0_i32, %c0_i32_0 : i32, i32
  }
  func.func @transform_23(%arg0: i32) -> (i32, i32) {
    %c0_i32 = arith.constant 0 : i32
    %c0_i32_0 = arith.constant 0 : i32
    %c0_i32_1 = arith.constant 0 : i32
    return %c0_i32, %c0_i32_0 : i32, i32
  }
  func.func @transform_24(%arg0: i32) -> (i32, i32) {
    %c0_i32 = arith.constant 0 : i32
    %c0_i32_0 = arith.constant 0 : i32
    %c0_i32_1 = arith.constant 0 : i32
    return %c0_i32, %c0_i32_0 : i32, i32
  }
  func.func @transform_25(%arg0: i32) -> (i32, i32) {
    %c0_i32 = arith.constant 0 : i32
    %c0_i32_0 = arith.constant 0 : i32
    %c0_i32_1 = arith.constant 0 : i32
    return %c0_i32, %c0_i32_0 : i32, i32
  }
  func.func @transform_26(%arg0: i32) -> (i32, i32) {
    %c0_i32 = arith.constant 0 : i32
    %c0_i32_0 = arith.constant 0 : i32
    %c0_i32_1 = arith.constant 0 : i32
    return %c0_i32, %c0_i32_0 : i32, i32
  }
  func.func @transform_27(%arg0: i32) -> (i32, i32) {
    %c0_i32 = arith.constant 0 : i32
    %c0_i32_0 = arith.constant 0 : i32
    %c0_i32_1 = arith.constant 0 : i32
    return %c0_i32, %c0_i32_0 : i32, i32
  }
  func.func @transform_28(%arg0: i32) -> (i32, i32) {
    %c0_i32 = arith.constant 0 : i32
    %c0_i32_0 = arith.constant 0 : i32
    %c0_i32_1 = arith.constant 0 : i32
    return %c0_i32, %c0_i32_0 : i32, i32
  }
  func.func @transform_29(%arg0: i32) -> (i32, i32) {
    %c0_i32 = arith.constant 0 : i32
    %c0_i32_0 = arith.constant 0 : i32
    %c0_i32_1 = arith.constant 0 : i32
    return %c0_i32, %c0_i32_0 : i32, i32
  }
  func.func @transform_30(%arg0: i32) -> (i32, i32) {
    %c0_i32 = arith.constant 0 : i32
    %c0_i32_0 = arith.constant 0 : i32
    %c0_i32_1 = arith.constant 0 : i32
    return %c0_i32, %c0_i32_0 : i32, i32
  }
  func.func @transform_31(%arg0: i32) -> (i32, i32) {
    %c0_i32 = arith.constant 0 : i32
    %c0_i32_0 = arith.constant 0 : i32
    %c0_i32_1 = arith.constant 0 : i32
    return %c0_i32, %c0_i32_0 : i32, i32
  }
  func.func @transform_32(%arg0: i32) -> (i32, i32) {
    %c0_i32 = arith.constant 0 : i32
    %c0_i32_0 = arith.constant 0 : i32
    %c0_i32_1 = arith.constant 0 : i32
    return %c0_i32, %c0_i32_0 : i32, i32
  }
}

</mosaic_0001>

<sc_bundles>
// kernel: kernel.4.cloned.1.call-start
scs
__scs_entry_jumppad:
0x0: {  	(pc) =	sbr.rel $0x88, $3  }
0x1: {  	(tag) =	ssettag $0x0;
	lr =	simm.s32 $0x1  }
0x2: {  	[smem:$0x3F82] =	sst lr;
	_ =	strace $0xD0000000  }
0x3: {  	_ = 	snop  }
0x4: {  	_ = 	snop  }
0x5: {  	_ = 	snop  }
0x6: {  	_ = 	snop  }
0x7: {  	_ = 	snop  }
__scs_overlays_trampoline_lowered:
0x8: {  	[smem:$0x3F91] =	sst s0  }
0x9: {  	[smem:$0x3F92] =	sst s1  }
0xa: {  	[smem:$0x3F93] =	sst s2  }
0xb: {  	[smem:$0x3F94] =	sst s3  }
0xc: {  	[smem:$0x3F95] =	sst s4  }
0xd: {  	[smem:$0x3F96] =	sst s5  }
0xe: {  	[smem:$0x3F97] =	sst s6  }
0xf: {  	[smem:$0x3F98] =	sst s7  }
0x10: {  	[smem:$0x3F99] =	sst s8  }
0x11: {  	[smem:$0x3F9A] =	sst s9;
	s0 =	simm.s32 @!p0 $0x0  }
0x12: {  	s1 =	sld [smem:$0x3F80];
	s0 =	simm.s32 @p0 $0x1  }
0x13: {  	[smem:$0x3F9B] =	sst s0;
	s0 =	simm.s32 @!p1 $0x0  }
0x14: {  	s2 =	sld [smem:$0x3F7F];
	s0 =	simm.s32 @p1 $0x1  }
0x15: {  	[smem:$0x3F9C] =	sst s0;
	s0 =	simm.s32 @!p2 $0x0  }
0x16: {  	s3 =	sld [smem:$0x3FDB];
	s0 =	simm.s32 @p2 $0x1  }
0x17: {  	s4 =	simm.s32 $0x1BF5;
	[smem:$0x3F9E] =	sst s0  }
0x18: {  	s0 =	sld [smem:$0x3F81];
	_ =	swait.ge [sflag:s4], $0x0  }
0x19: {  	s7 =	sld [smem:$0x3F82]  }
0x1a: {  	s8 =	sadd.s32 $0xFFFFE003, lr  }
0x1b: {  	s9 =	sadd.s32 $0xFFFFFEF7, lr;
	s5 =	simm.s32 $0xFFFFFFFF;
	p2 =	slt.u32 s8, $0xFFFFF086  }
0x1c: {  	p1 =	slt.u32 s9, $0xF7A;
	s5 =	simm.s32 @!p2 $0x0  }
0x1d: {  	s5 =	simm.s32 @p1 $0x1;
	p0 =	seq.s32 s7, s2  }
0x1e: {  	s7 =	smul.u32 @!p0 $0xF7A, s2;
	p2 =	seq.s32 @!p0 s5, $0x0  }
0x1f: {  	s9 =	smul.u32 $0xF7A, s1;
	s8 =	simm.s32 @!p0 $0x1BF5;
	p2 =	por !p2, p0  }
0x20: {  	[sflag:s8] =	ssyncset.s32 @!p0 $0xFFFFF086;
	s6 =	sadd.s32 @!p0 s3, s7;
	s7 =	simm.s32 @!p0 $0x108  }
0x21: {  	s3 =	sadd.s32 s3, s9;
	s6 =	sadd.s32 @!p0 $0x88, s6;
	s7 =	simm.s32 @p2 $0x1082  }
0x22: {  	[simem:s7], [sflag:s8] =	dma.local @!p0 [hbm:s6], $0xF7A  }
0x23: {  	s9 =	sor.u32 $0xD0000000, s2;
	s6 =	simm.s32 $0x108;
	_ =	swait.ge @!p0 [sflag:s8], $0x0  }
0x24: {  	s3 =	sadd.s32 $0x88, s3;
	s6 =	simm.s32 @!p1 $0x1082;
	[sflag:s4] =	ssyncset.s32 $0xFFFFF086  }
0x25: {  	[simem:s6], [sflag:s4] =	dma.local [hbm:s3], $0xF7A  }
0x26: {  	[smem:$0x3F82] =	sst s1;
	(tag) =	ssettag s2;
	_ =	strace s9  }
0x27: {  	s1 =	sld [smem:$0x3F92]  }
0x28: {  	s2 =	sld [smem:$0x3F93]  }
0x29: {  	s4 =	sld [smem:$0x3F95]  }
0x2a: {  	p0 =	seq.s32 s5, $0x0;
	s5 =	sld [smem:$0x3F96]  }
0x2b: {  	s6 =	sld [smem:$0x3F97]  }
0x2c: {  	s7 =	sld [smem:$0x3F98]  }
0x2d: {  	s3 =	simm.s32 $0x108;
	s8 =	sld [smem:$0x3F99]  }
0x2e: {  	s3 =	simm.s32 @!p0 $0x1082;
	s9 =	sld [smem:$0x3F9A]  }
0x2f: {  	lr =	sadd.s32 s0, s3;
	s0 =	sld [smem:$0x3F91]  }
0x30: {  	s3 =	sld [smem:$0x3F94]  }
0x31: {  	[smem:$0x3F9D] =	sst s10  }
0x32: {  	s10 =	sld [smem:$0x3F9B];
	_ =	sdelay $0x3  }
0x33: {  	p0 =	seq.s32 s10, $0x1;
	s10 =	sld [smem:$0x3F9D];
	_ =	sdelay $0x3  }
0x34: {  	[smem:$0x3F9D] =	sst s10  }
0x35: {  	s10 =	sld [smem:$0x3F9C];
	_ =	sdelay $0x3  }
0x36: {  	p1 =	seq.s32 s10, $0x1;
	s10 =	sld [smem:$0x3F9D];
	_ =	sdelay $0x3  }
0x37: {  	[smem:$0x3F9D] =	sst s10  }
0x38: {  	s10 =	sld [smem:$0x3F9E]  }
0x39: {  	_ = 	snop;
	(pc) =	sbr.ind lr, $3  }
0x3a: {  	_ = 	snop  }
0x3b: {  	_ = 	snop  }
0x3c: {  	p2 =	seq.s32 s10, $0x1;
	s10 =	sld [smem:$0x3F9D]  }
0x3d: {  	_ =	shalt  }
0x3e: {  	_ =	shalt  }
0x3f: {  	_ =	shalt  }
0x40: {  	_ =	shalt  }
0x41: {  	_ =	shalt  }
0x42: {  	_ =	shalt  }
0x43: {  	_ =	shalt  }
0x44: {  	_ =	shalt  }
0x45: {  	_ =	shalt  }
0x46: {  	_ =	shalt  }
0x47: {  	_ =	shalt  }
0x48: {  	_ =	shalt  }
0x49: {  	_ =	shalt  }
0x4a: {  	_ =	shalt  }
0x4b: {  	_ =	shalt  }
0x4c: {  	_ =	shalt  }
0x4d: {  	_ =	shalt  }
0x4e: {  	_ =	shalt  }
0x4f: {  	_ =	shalt  }
0x50: {  	_ =	shalt  }
0x51: {  	_ =	shalt  }
0x52: {  	_ =	shalt  }
0x53: {  	_ =	shalt  }
0x54: {  	_ =	shalt  }
0x55: {  	_ =	shalt  }
0x56: {  	_ =	shalt  }
0x57: {  	_ =	shalt  }
0x58: {  	_ =	shalt  }
0x59: {  	_ =	shalt  }
0x5a: {  	_ =	shalt  }
0x5b: {  	_ =	shalt  }
0x5c: {  	_ =	shalt  }
0x5d: {  	_ =	shalt  }
0x5e: {  	_ =	shalt  }
0x5f: {  	_ =	shalt  }
0x60: {  	_ =	shalt  }
0x61: {  	_ =	shalt  }
0x62: {  	_ =	shalt  }
0x63: {  	_ =	shalt  }
0x64: {  	_ =	shalt  }
0x65: {  	_ =	shalt  }
0x66: {  	_ =	shalt  }
0x67: {  	_ =	shalt  }
0x68: {  	_ =	shalt  }
0x69: {  	_ =	shalt  }
0x6a: {  	_ =	shalt  }
0x6b: {  	_ =	shalt  }
0x6c: {  	_ =	shalt  }
0x6d: {  	_ =	shalt  }
0x6e: {  	_ =	shalt  }
0x6f: {  	_ =	shalt  }
0x70: {  	_ =	shalt  }
0x71: {  	_ =	shalt  }
0x72: {  	_ =	shalt  }
0x73: {  	_ =	shalt  }
0x74: {  	_ =	shalt  }
0x75: {  	_ =	shalt  }
0x76: {  	_ =	shalt  }
0x77: {  	_ =	shalt  }
0x78: {  	_ =	shalt  }
0x79: {  	_ =	shalt  }
0x7a: {  	_ =	shalt  }
0x7b: {  	_ =	shalt  }
0x7c: {  	_ =	shalt  }
0x7d: {  	_ =	shalt  }
0x7e: {  	_ =	shalt  }
0x7f: {  	_ =	shalt  }
0x80: {  	_ =	shalt  }
0x81: {  	_ =	shalt  }
0x82: {  	_ =	shalt  }
0x83: {  	_ =	shalt  }
0x84: {  	_ =	shalt  }
0x85: {  	_ =	shalt  }
0x86: {  	_ =	shalt  }
0x87: {  	_ =	shalt  }
.Lfunc_end0:
.L_simem_size_0:
called_computation.1_lowered:
.L_overlay_start_0:
0x88: {  	s2 =	sld [smem:$0x3FD9]  }
0x89: {  	s3 =	sld [smem:$0x3FFE];
	_ =	sdelay $0x1  }
0x8a: {  	s1 =	srdreg.scid  }
0x8b: {  	s0 =	sand.u32 $0x1, s1  }
0x8c: {  	s17 =	sshll.u32 s0, $0xA;
	s2 =	sadd.s32 s3, s2  }
0x8d: {  	s2 =	sadd.s32 s2, s17  }
0x8e: {  	[smem:$0x3FA9] =	sst s2  }
0x8f: {  	_ = 	snop  }
0x90: {  	s2 =	sld [smem:$0x3FC9];
	(tm) =	ssettm $0x1  }
0x91: {  	s18 =	sld [smem:$0x3FFB];
	_ =	sdelay $0x3  }
0x92: {  	_ =	strace s18  }
0x93: {  	s3 =	sld [smem:$0x3FFC];
	_ =	sdelay $0x3  }
0x94: {  	_ =	strace s3  }
0x95: {  	s3 =	sld [smem:$0x3FFD];
	_ =	sdelay $0x3  }
0x96: {  	_ =	strace s3  }
0x97: {  	_ =	strace $0x8FFFFFFF  }
0x98: {  	s19 =	sld [smem:$0x3FDB];
	_ =	sdelay $0x1  }
0x99: {  	s4 =	simm.s32 $_scs_section_size  }
0x9a: {  	s5 =	simm.s32 $_size__tile_overlayer_lowered;
	s6 =	simm.s32 $_tile_overlayer_lowered  }
0x9b: {  	s22 =	simm.s32 $0x1BFF;
	s21 =	sshll.u32 s6, $0x1;
	s3 =	sadd.s32 s4, s19  }
0x9c: {  	s7 =	simm.s32 $0x0;
	s20 =	sshll.u32 s5, $0x1;
	s5 =	sadd.s32 s21, s3  }
0x9d: {  	[timem:s7], [sflag:s22] =	dma.local [hbm:s5], s20  }
0x9e: {  	_ =	swait.ge [sflag:s22], s20  }
0x9f: {  	s4 =	ssub.s32 $0x0, s20;
	[sflag:s22] =	ssyncset.done $0x0  }
0xa0: {  	[sflag:s22] =	ssyncadd.s32 s4;
	_ =	sdelay $0x1  }
0xa1: {  	s23 =	simm.s32 $0x1B8B  }
0xa2: {  	_ =	swait.ge [sflag:s23], $0x1  }
0xa3: {  	[sflag:s23] =	ssyncset.done $0x0  }
0xa4: {  	s25 =	simm.s32 $0x1B8E;
	s24 =	sld [smem:$0x3FFE];
	[sflag:s23] =	ssyncadd.s32 $0xFFFFFFFF  }
0xa5: {  	s26 =	simm.s32 $execute0_lowered;
	[smem:$0x3FD2] =	sst s25  }
0xa6: {  	s5 =	sshll.u32 s26, $0x1;
	_ =	strace $0x80000049;
	[dreg:$0x1] =	wrdreg $0xFFFFFFFF  }
0xa7: {  	s28 =	simm.s32 $_size_execute0_lowered;
	s3 =	sadd.s32 s3, s5;
	[dreg:$0x0] =	wrdreg $0x0  }
0xa8: {  	s5 =	sshll.u32 s28, $0x1;
	[dreg:$0x2] =	wrdreg s3  }
0xa9: {  	[dreg:$0x3] =	wrdreg s5  }
0xaa: {  	[dreg:$0x4] =	wrdreg $0xC0  }
0xab: {  	_ =	task [dreg:s7], $0x5FFFF  }
0xac: {  	[dreg:$0x1] =	wrdreg $0xFFFFFFFF  }
0xad: {  	[dreg:$0x0] =	wrdreg $0x60  }
0xae: {  	[dreg:$0x2] =	wrdreg s24  }
0xaf: {  	[dreg:$0x3] =	wrdreg s2  }
0xb0: {  	[dreg:$0x4] =	wrdreg $0x81000  }
0xb1: {  	[dreg:$0x5] =	wrdreg $0x9  }
0xb2: {  	_ =	task.clear_ibuf [dreg:s7], $0x6FFFF;
	_ =	strace $0x90000049  }
0xb3: {  	s29 =	simm.s32 $0x9;
	_ =	strace $0x8000004B  }
0xb4: {  	_ =	swait.ge [sflag:s29], $0x1  }
0xb5: {  	[sflag:s29] =	ssyncadd.s32 $0xFFFFFFFF  }
0xb6: {  	_ =	strace $0x9000004B  }
0xb7: {  	_ =	sfence  }
0xb8: {  	s30 =	sld [smem:$0x0];
	_ =	sdelay $0x2  }
0xb9: {  	s31 =	sshll.u32 s1, $0xD;
	s1 =	sshrl.u32 s1, $0x2  }
0xba: {  	s3 =	sand.u32 $0x4000, s31;
	s1 =	sadd.s32 s1, s30  }
0xbb: {  	s0 =	sor.u32 s3, s0;
	s1 =	sshll.u32 s1, $0x11  }
0xbc: {  	s0 =	sor.u32 s1, s0  }
0xbd: {  	s0 =	sadd.s32 $0x8F2B, s0  }
0xbe: {  	[sflag:s0] =	ssyncadd.remote.s32 $0x1  }
0xbf: {  	_ =	sfence.sel $0xFFFF  }
0xc0: {  	[dreg:$0x0] =	wrdreg $0xFFFFFFFF;
	(pc) =	sbr.abs _section_cstart, $3  }
0xc1: {  	[dreg:$0x1] =	wrdreg $0xFFFFFFFF  }
0xc2: {  	_ =	task.clear_ibuf [dreg:s7], $0x2FFFF;
	_ =	strace $0x9FFFFFFF  }
0xc3: {  	(tm) =	ssettm $0x7FFFFFFF  }
tec
execute0_lowered:
.L_overlay_start_1:
0x0: {  	(tag) =	ssettag $0x1  }
0x1: {  	s0 =	rddreg [dreg:$0x0]  }
0x2: {  	s1 =	srdreg.scid;
	s5 =	stileid.u32  }
0x3: {  	s2 =	rddreg [dreg:$0x2];
	s3 =	simm.s32 $0x0;
	s13 =	simm.s32 $0x80  }
0x4: {  	s14 =	simm.s32 $0x2;
	s15 =	simm.s32 $0x7900;
	s16 =	simm.s32 $0x1  }
0x5: {  	s17 =	simm.s32 $0x7800;
	s18 =	simm.s32 $0x2800;
	s19 =	simm.s32 $0x7880  }
0x6: {  	s20 =	simm.s32 $0x5000;
	s21 =	simm.s32 $0x400;
	s22 =	simm.s32 $0x0  }
0x7: {  	s1 =	sand.u32 $0x1, s1;
	s4 =	sshll.u32 s5, $0x5;
	[smem:$0x7FF] =	sst s3  }
0x8: {  	s7 =	sadd.s32 $0x7000, s0;
	s31 =	sadd.s32 $0x1E00, s0;
	s8 =	sadd.s32 $0xB1800, s0  }
0x9: {  	s6 =	sshll.u32 s1, $0x4;
	_ =	strace $0x8000004A;
	[dreg:$0x4] =	wrdreg s7  }
0xa: {  	p0 =	sne.s32 s5, $0x0;
	[dreg:$0x5] =	wrdreg s31;
	s4 =	sor.u32 s6, s4  }
.Ltmp0:
0xb: {  	s1 =	ssub.s32 $0x2, s1;
	s6 =	sshrl.u32 s4, $0x3;
	(pc) =	sbr.rel .LBB2_1-.Ltmp0, $4  }
0xc: {  	vm0 =	vmmov $0xffff;
	v0 =	vlaneseq.u32;
	s7 =	sadd.s32 $0x11800, s0;
	s9 =	sshll.u32 s4, $0x4;
	s6 =	sadd.s32 s6, s0  }
0xd: {  	v1 =	vimm.f32 $0.0e+00;
	v3 =	vimm.f32 $1.000000000e+00;
	v2 =	vadd.s32 $0x1, v0;
	s10 =	sshrl.u32 s1, $0x1;
	s0 =	sadd.s32 s9, s0;
	s6 =	sadd.s32 $0x11600, s6  }
0xe: {  	v4 =	vadd.s32 $0x11, v0;
	v5 =	vor.u32 $0x10, v0;
	v6 =	vadd.s32 $0x21, v0;
	s1 =	ssub.s32 s1, s10;
	s0 =	sadd.s32 $0x2400, s0;
	[dreg:$0x6] =	wrdreg s6  }
0xf: {  	v7 =	vor.u32 $0x20, v0;
	v8 =	vadd.s32 $0x31, v0;
	v9 =	vor.u32 $0x30, v0;
	s12 =	sshrl.u32 @!p0 s2, $0x3;
	s11 =	smax.u32 s1, $0x1;
	[dreg:$0x7] =	wrdreg s0  }
.LBB2_16:
0x10: {  	s22 =	sadd.s32 $0x1, s22  }
0x11: {  	p1 =	sne.s32 s22, s11  }
.Ltmp1:
0x12: {  	_ = 	snop;
	(pc) =	sbr.rel @!p1 .LBB2_17-.Ltmp1, $1  }
0x13: {  	_ =	sdelay $0x3  }
.LBB2_1:
0x14: {  	s0 =	simm.s32 @!p0 $0x1C02;
	s1 =	rddreg [dreg:$0x4]  }
0x15: {  	[spmem:s12], [sflag:s0] =	dma.local @!p0 [hbm:s1], $0x4E30  }
0x16: {  	s0 =	simm.s32 @!p0 $0x2  }
0x17: {  	_ =	swait.ge @!p0 [sflag:s0], $0x4E30  }
0x18: {  	[sflag:s0] =	ssyncset.done @!p0 $0x0  }
0x19: {  	[sflag:s0] =	ssyncadd.s32 @!p0 $0xFFFFB1D0  }
0x1a: {  	[bflag:$0x0] =	sbarrier.arrive $0xFFFF  }
0x1b: {  	s28 =	rddreg [dreg:$0x5]  }
0x1c: {  	[tilespmem:s13], [sflag:$0x2] =	stream.linear.gather [hbm4b:s28+s3], $0x2780, $0x38;
	[tilespmem:$0xA818] =	vst v63  }
0x1d: {  	_ =	swait.ge [sflag:s14], $0x2780  }
0x1e: {  	[sflag:s14] =	ssyncset.done $0x0  }
0x1f: {  	s29 =	rddreg [dreg:$0x6];
	[sflag:s14] =	ssyncadd.s32 $0xFFFFD880  }
0x20: {  	[tilespmem:s3], [sflag:$0x2] =	stream.linear.gather [hbm4b:s29+s3], $0x10, $0x38;
	[tilespmem:$0xA818] =	vst v63  }
0x21: {  	_ =	swait.ge [sflag:s14], $0x10  }
0x22: {  	[sflag:s14] =	ssyncset.done $0x0  }
0x23: {  	[sflag:s14] =	ssyncadd.s32 $0xFFFFFFF0  }
0x24: {  	v10 =	vld [tilespmem:$0x0];
	_ =	sdelay $0x6  }
0x25: {  	s30 =	rddreg [dreg:$0x1]  }
0x26: {  	[tilespmem:s15], [sflag:$0x1] =	stream.indirect_vreg.gather [hbm4b:s30+s3], $0x80, v10, vm0, $0xb8;
	[tilespmem:$0xA818] =	vst v63  }
0x27: {  	_ =	swait.ge [sflag:s16], $0x800  }
0x28: {  	[sflag:s16] =	ssyncset.done $0x0  }
.Ltmp2:
0x29: {  	s31 =	rddreg [dreg:$0x7];
	[sflag:s16] =	ssyncadd.s32 $0xFFFFF800;
	(pc) =	sbr.rel .LBB2_2-.Ltmp2, $4  }
0x2a: {  	[hbm4b:s31+s3] =	stream.linear.scatter [tilespmem:s15], [sflag:$0x2], $0x800, $0x38;
	[tilespmem:$0xA818] =	vst v63  }
0x2b: {  	_ =	swait.ge [sflag:s14], $0x800  }
0x2c: {  	[sflag:s14] =	ssyncset.done $0x0  }
0x2d: {  	s23 =	simm.s32 $0x0;
	[sflag:s14] =	ssyncadd.s32 $0xFFFFF800  }
.LBB2_15:
0x2e: {  	s0 =	sor.u32 s4, s23  }
0x2f: {  	s0 =	sshrl.u32 s0, $0x3  }
0x30: {  	s1 =	sshll.u32 s23, $0x7;
	s0 =	smul.u32 $0x14000, s0  }
0x31: {  	s1 =	sand.u32 $0x380, s1  }
0x32: {  	s0 =	sor.u32 s1, s0  }
0x33: {  	s0 =	sshrl.u32 s0, $0x3  }
0x34: {  	s31 =	sadd.s32 s7, s0  }
0x35: {  	[hbm4b:s31+s13] =	stream.strided.scatter [tilespmem:s18], [sflag:$0x2], $0x2800, s21, s13, $0x38;
	[tilespmem:$0xA818] =	vst v63  }
0x36: {  	s23 =	sadd.s32 $0x1, s23;
	_ =	swait.ge [sflag:s14], $0x2800  }
0x37: {  	p1 =	sne.s32 s23, $0x10;
	[sflag:s14] =	ssyncset.done $0x0  }
.Ltmp3:
0x38: {  	s0 =	sadd.s32 s8, s0;
	[sflag:s14] =	ssyncadd.s32 $0xFFFFD800;
	(pc) =	sbr.rel @!p1 .LBB2_16-.Ltmp3, $4  }
0x39: {  	[hbm4b:s0+s13] =	stream.strided.scatter [tilespmem:s20], [sflag:$0x2], $0x2800, s21, s13, $0x38;
	[tilespmem:$0xA818] =	vst v63  }
0x3a: {  	_ =	swait.ge [sflag:s14], $0x2800  }
0x3b: {  	[sflag:s14] =	ssyncset.done $0x0  }
0x3c: {  	[sflag:s14] =	ssyncadd.s32 $0xFFFFD800  }
.LBB2_2:
0x3d: {  	v10 =	vld [tilespmem:s23+$0x0];
	s0 =	simm.s32 $0x40;
	s1 =	simm.s32 $0x0  }
.LBB2_3:
0x3e: {  	p1 =	sne.s32 s0, $0x9FC0;
	[tilespmem:s1+$0x2800] =	vst v1;
	s5 =	smov.u32 s0;
	s0 =	sadd.s32 $0x40, s0  }
.Ltmp4:
0x3f: {  	[tilespmem:s1+$0x5000] =	vst v1;
	(pc) =	sbr.rel @p1 .LBB2_3-.Ltmp4, $2  }
0x40: {  	_ =	sdelay $0x2  }
0x41: {  	s1 =	sshra.s32 s5, $0x2  }
0x42: {  	(v2sf) =	vpush v10, $0x0;
	_ =	sdelay $0xd  }
0x43: {  	[tilespmem:s1+$0x2800] =	vst v1  }
0x44: {  	[tilespmem:s1+$0x5000] =	vst v1;
	s24 =	spop (v2sf)  }
0x45: {  	v10 =	vld [tilespmem:s24+$0x80];
	_ =	sdelay $0x4  }
0x46: {  	(v2sf) =	vpush v10, $0x0;
	_ =	sdelay $0x1  }
0x47: {  	v10 =	vld [tilespmem:s24+$0x81];
	_ =	sdelay $0x4  }
0x48: {  	(v2sf) =	vpush v10, $0x0;
	_ =	sdelay $0x7  }
0x49: {  	s0 =	spop (v2sf)  }
0x4a: {  	s28 =	sand.u32 $0x7, s0  }
0x4b: {  	s5 =	sshra.s32 s0, $0x1F;
	p1 =	slt.s32 s0, $0x1;
	p2 =	sne.s32 s28, $0x0  }
0x4c: {  	s29 =	sshrl.u32 s5, $0x1D;
	p1 =	por !p1, !p2  }
0x4d: {  	s5 =	simm.s32 $0x1;
	s1 =	sadd.s32 s29, s0;
	p1 =	por !p1, !p1  }
0x4e: {  	s1 =	sshra.s32 s1, $0x3;
	s5 =	simm.s32 @!p1 $0x0  }
0x4f: {  	s5 =	ssub.s32 s1, s5  }
0x50: {  	s30 =	spop (v2sf);
	s6 =	sshll.u32 s5, $0x3  }
0x51: {  	s25 =	ssub.s32 s30, s6  }
0x52: {  	s1 =	sadd.s32 $0x3F, s25  }
0x53: {  	s9 =	sand.u32 $0x3F, s1  }
0x54: {  	s31 =	sshra.s32 s1, $0x1F;
	p6 =	slt.s32 s1, $0x1;
	p5 =	sne.s32 s9, $0x0  }
0x55: {  	s9 =	sshrl.u32 s31, $0x1A;
	p1 =	por !p6, !p5  }
0x56: {  	s1 =	sadd.s32 s9, s1;
	s9 =	simm.s32 $0x1;
	p1 =	por !p1, !p1  }
0x57: {  	s1 =	sshra.s32 s1, $0x6;
	s9 =	simm.s32 @!p1 $0x0  }
0x58: {  	s1 =	ssub.s32 s1, s9  }
0x59: {  	p1 =	slt.s32 s1, $0x1  }
.Ltmp5:
0x5a: {  	_ = 	snop;
	(pc) =	sbr.rel @p1 .LBB2_7-.Ltmp5, $1  }
0x5b: {  	_ =	sdelay $0x3  }
0x5c: {  	s5 =	sshll.u32 s5, $0x5  }
0x5d: {  	s5 =	sshra.s32 s5, $0x2  }
0x5e: {  	s0 =	ssub.s32 s0, s6;
	s5 =	sadd.s32 s5, s2  }
.LBB2_6:
0x5f: {  	[tilespmem:s17], [sflag:$0x2] =	stream.linear.gather [spmem:s5], $0x40, $0x38;
	[tilespmem:$0xA818] =	vst v63  }
0x60: {  	_ =	swait.ge [sflag:s14], $0x40  }
0x61: {  	[sflag:s14] =	ssyncset.done $0x0  }
0x62: {  	[sflag:s14] =	ssyncadd.s32 $0xFFFFFFC0  }
0x63: {  	v11 =	vmov s0;
	v12 =	vmov s25;
	v10 =	vld [tilespmem:$0x7800]  }
0x64: {  	vm1 =	vlt.s32 v11, v2;
	vm2 =	vgt.s32 v12, v0  }
0x65: {  	vm1 =	vmand vm1, vm2;
	_ =	sdelay $0x5  }
0x66: {  	[tilespmem:v10+s18+$0x0] =	vst.idx.msk vm1, v3  }
0x67: {  	v10 =	vld [tilespmem:$0x7810]  }
0x68: {  	vm2 =	vgt.s32 v12, v5;
	vm1 =	vlt.s32 v11, v4  }
0x69: {  	vm1 =	vmand vm1, vm2;
	_ =	sdelay $0x5  }
0x6a: {  	[tilespmem:v10+s18+$0x0] =	vst.idx.msk vm1, v3  }
0x6b: {  	v10 =	vld [tilespmem:$0x7820]  }
0x6c: {  	vm2 =	vgt.s32 v12, v7;
	vm1 =	vlt.s32 v11, v6  }
0x6d: {  	vm1 =	vmand vm1, vm2;
	_ =	sdelay $0x5  }
0x6e: {  	[tilespmem:v10+s18+$0x0] =	vst.idx.msk vm1, v3  }
0x6f: {  	v10 =	vld [tilespmem:$0x7830]  }
0x70: {  	vm2 =	vgt.s32 v12, v9;
	vm1 =	vlt.s32 v11, v8  }
0x71: {  	vm1 =	vmand vm1, vm2  }
0x72: {  	p1 =	sne.s32 s1, $0x1  }
.Ltmp6:
0x73: {  	_ = 	snop;
	(pc) =	sbr.rel @p1 .LBB2_6-.Ltmp6, $3  }
0x74: {  	_ =	sdelay $0x1  }
0x75: {  	s5 =	sadd.s32 $0x40, s5  }
0x76: {  	s25 =	sadd.s32 $0xFFFFFFC0, s25;
	s0 =	sadd.s32 $0xFFFFFFC0, s0;
	s1 =	sadd.s32 $0xFFFFFFFF, s1;
	[tilespmem:v10+s18+$0x0] =	vst.idx.msk vm1, v3  }
.LBB2_7:
0x77: {  	v10 =	vld [tilespmem:s24+$0x80];
	_ =	sdelay $0x4  }
0x78: {  	(v2sf) =	vpush v10, $0x0;
	_ =	sdelay $0x1  }
0x79: {  	v10 =	vld [tilespmem:s24+$0x81];
	_ =	sdelay $0x4  }
0x7a: {  	(v2sf) =	vpush v10, $0x0;
	_ =	sdelay $0x7  }
0x7b: {  	s24 =	spop (v2sf)  }
0x7c: {  	s0 =	sand.u32 $0x7, s24  }
0x7d: {  	s1 =	sshra.s32 s24, $0x1F;
	p1 =	slt.s32 s24, $0x1;
	p2 =	sne.s32 s0, $0x0  }
0x7e: {  	s26 =	sshrl.u32 s1, $0x1D;
	p1 =	por !p1, !p2  }
0x7f: {  	s1 =	simm.s32 $0x1;
	s0 =	sadd.s32 s26, s24;
	p1 =	por !p1, !p1  }
0x80: {  	s0 =	sshrl.u32 s0, $0x3;
	s1 =	simm.s32 @!p1 $0x0  }
0x81: {  	s0 =	ssub.s32 s0, s1  }
0x82: {  	s25 =	spop (v2sf);
	s26 =	sshll.u32 s0, $0x3  }
0x83: {  	s0 =	ssub.s32 s25, s26  }
0x84: {  	s0 =	sadd.s32 $0x3F, s0  }
0x85: {  	s30 =	sand.u32 $0x3F, s0  }
0x86: {  	s31 =	sshra.s32 s0, $0x1F;
	p6 =	slt.s32 s0, $0x1;
	p5 =	sne.s32 s30, $0x0  }
0x87: {  	s1 =	sshrl.u32 s31, $0x1A;
	p1 =	por !p6, !p5  }
0x88: {  	s0 =	sadd.s32 s1, s0;
	s1 =	simm.s32 $0x1;
	p1 =	por !p1, !p1  }
0x89: {  	s0 =	sshra.s32 s0, $0x6;
	s1 =	simm.s32 @!p1 $0x0  }
0x8a: {  	s28 =	ssub.s32 s0, s1  }
0x8b: {  	p1 =	slt.s32 s28, $0x1  }
.Ltmp7:
0x8c: {  	_ = 	snop;
	(pc) =	sbr.rel @!p1 .LBB2_8-.Ltmp7, $4  }
.Ltmp8:
0x8d: {  	_ = 	snop;
	(pc) =	sbr.rel @p1 .LBB2_15-.Ltmp8, $4  }
0x8e: {  	_ = 	snop  }
0x8f: {  	_ = 	snop  }
0x90: {  	s29 =	simm.s32 $0x0  }
0x91: {  	_ = 	snop  }
.LBB2_14:
0x92: {  	s29 =	sadd.s32 $0x1, s29  }
0x93: {  	p1 =	sne.s32 s29, s28  }
.Ltmp9:
0x94: {  	_ = 	snop;
	(pc) =	sbr.rel @!p1 .LBB2_15-.Ltmp9, $1  }
0x95: {  	_ =	sdelay $0x3  }
.LBB2_8:
0x96: {  	s0 =	sshll.u32 s29, $0x6  }
0x97: {  	s1 =	sadd.s32 s26, s0  }
0x98: {  	s0 =	sadd.s32 s1, s2  }
0x99: {  	[tilespmem:s17], [sflag:$0x2] =	stream.linear.gather [spmem:s0], $0x40, $0x38;
	[tilespmem:$0xA818] =	vst v63  }
0x9a: {  	s0 =	ssub.s32 s24, s1;
	s1 =	ssub.s32 s25, s1  }
0x9b: {  	p1 =	sgt.s32 s0, $0x0;
	p2 =	slt.s32 s1, $0x40  }
0x9c: {  	s0 =	simm.s32 @!p1 $0x0;
	s1 =	simm.s32 @!p2 $0x40  }
0x9d: {  	s30 =	ssub.s32 s1, s0  }
0x9e: {  	p1 =	slt.s32 s30, $0x1  }
.Ltmp10:
0x9f: {  	_ = 	snop;
	(pc) =	sbr.rel @p1 .LBB2_14-.Ltmp10, $4  }
0xa0: {  	_ = 	snop  }
0xa1: {  	_ =	swait.ge [sflag:s14], $0x40  }
0xa2: {  	[sflag:s14] =	ssyncset.done $0x0  }
0xa3: {  	[sflag:s14] =	ssyncadd.s32 $0xFFFFFFC0  }
.Ltmp11:
0xa4: {  	(pc) =	sbr.rel .LBB2_10-.Ltmp11, $3  }
0xa5: {  	_ =	sdelay $0x1  }
0xa6: {  	s0 =	sadd.s32 $0x7800, s0  }
0xa7: {  	s31 =	simm.s32 $0x0;
	v10 =	vmov s0  }
.LBB2_13:
0xa8: {  	s31 =	sadd.s32 $0x1, s31  }
0xa9: {  	p1 =	slt.s32 s31, s30  }
.Ltmp12:
0xaa: {  	_ = 	snop;
	(pc) =	sbr.rel @!p1 .LBB2_14-.Ltmp12, $1  }
0xab: {  	_ =	sdelay $0x3  }
.LBB2_10:
0xac: {  	_ =	sdelay $0x3  }
0xad: {  	v11 =	vld.idx.msk [tilespmem:v10+s31+$0x0 ss:$0x1], $0xffff;
	_ =	sdelay $0x4  }
0xae: {  	(v2sf) =	vpush v11, $0x0;
	_ =	sdelay $0xe  }
0xaf: {  	s0 =	spop (v2sf)  }
0xb0: {  	v11 =	vld [tilespmem:s0+$0x80];
	_ =	sdelay $0x4  }
0xb1: {  	(v2sf) =	vpush v11, $0x0;
	_ =	sdelay $0x1  }
0xb2: {  	v11 =	vld [tilespmem:s0+$0x81];
	_ =	sdelay $0x4  }
0xb3: {  	(v2sf) =	vpush v11, $0x0;
	_ =	sdelay $0x7  }
0xb4: {  	s5 =	spop (v2sf)  }
0xb5: {  	s6 =	sand.u32 $0x7, s5  }
0xb6: {  	s1 =	sshra.s32 s5, $0x1F;
	p1 =	slt.s32 s5, $0x1;
	p2 =	sne.s32 s6, $0x0  }
0xb7: {  	s9 =	sshrl.u32 s1, $0x1D;
	p1 =	por !p1, !p2  }
0xb8: {  	s1 =	simm.s32 $0x1;
	s0 =	sadd.s32 s9, s5;
	p1 =	por !p1, !p1  }
0xb9: {  	s0 =	sshra.s32 s0, $0x3;
	s1 =	simm.s32 @!p1 $0x0  }
0xba: {  	s6 =	ssub.s32 s0, s1  }
0xbb: {  	s10 =	spop (v2sf);
	s9 =	sshll.u32 s6, $0x3  }
0xbc: {  	s1 =	ssub.s32 s10, s9  }
0xbd: {  	s0 =	sadd.s32 $0x3F, s1  }
0xbe: {  	s10 =	sand.u32 $0x3F, s0  }
0xbf: {  	p6 =	slt.s32 s0, $0x1;
	p5 =	sne.s32 s10, $0x0;
	s10 =	sshra.s32 s0, $0x1F  }
0xc0: {  	s10 =	sshrl.u32 s10, $0x1A;
	p1 =	por !p6, !p5  }
0xc1: {  	s0 =	sadd.s32 s10, s0;
	p1 =	por !p1, !p1;
	s10 =	simm.s32 $0x1  }
0xc2: {  	s0 =	sshra.s32 s0, $0x6;
	s10 =	simm.s32 @!p1 $0x0  }
0xc3: {  	s0 =	ssub.s32 s0, s10  }
0xc4: {  	p1 =	slt.s32 s0, $0x1  }
.Ltmp13:
0xc5: {  	_ = 	snop;
	(pc) =	sbr.rel @p1 .LBB2_13-.Ltmp13, $1  }
0xc6: {  	_ =	sdelay $0x3  }
0xc7: {  	s6 =	sshll.u32 s6, $0x5  }
0xc8: {  	s6 =	sshra.s32 s6, $0x2  }
0xc9: {  	s5 =	ssub.s32 s5, s9;
	s6 =	sadd.s32 s6, s2  }
.LBB2_12:
0xca: {  	[tilespmem:s19], [sflag:$0x2] =	stream.linear.gather [spmem:s6], $0x40, $0x38;
	[tilespmem:$0xA818] =	vst v63  }
0xcb: {  	_ =	swait.ge [sflag:s14], $0x40  }
0xcc: {  	[sflag:s14] =	ssyncset.done $0x0  }
0xcd: {  	[sflag:s14] =	ssyncadd.s32 $0xFFFFFFC0  }
0xce: {  	v12 =	vmov s5;
	v13 =	vmov s1;
	v11 =	vld [tilespmem:$0x7880]  }
0xcf: {  	vm1 =	vlt.s32 v12, v2;
	vm2 =	vgt.s32 v13, v0  }
0xd0: {  	vm1 =	vmand vm1, vm2;
	_ =	sdelay $0x5  }
0xd1: {  	[tilespmem:v11+s20+$0x0] =	vst.idx.msk vm1, v3  }
0xd2: {  	v11 =	vld [tilespmem:$0x7890]  }
0xd3: {  	vm2 =	vgt.s32 v13, v5;
	vm1 =	vlt.s32 v12, v4  }
0xd4: {  	vm1 =	vmand vm1, vm2;
	_ =	sdelay $0x5  }
0xd5: {  	[tilespmem:v11+s20+$0x0] =	vst.idx.msk vm1, v3  }
0xd6: {  	v11 =	vld [tilespmem:$0x78A0]  }
0xd7: {  	vm2 =	vgt.s32 v13, v7;
	vm1 =	vlt.s32 v12, v6  }
0xd8: {  	vm1 =	vmand vm1, vm2;
	_ =	sdelay $0x5  }
0xd9: {  	[tilespmem:v11+s20+$0x0] =	vst.idx.msk vm1, v3  }
0xda: {  	v11 =	vld [tilespmem:$0x78B0]  }
0xdb: {  	vm2 =	vgt.s32 v13, v9;
	vm1 =	vlt.s32 v12, v8  }
0xdc: {  	vm1 =	vmand vm1, vm2  }
0xdd: {  	p1 =	sne.s32 s0, $0x1  }
.Ltmp14:
0xde: {  	_ = 	snop;
	(pc) =	sbr.rel @p1 .LBB2_12-.Ltmp14, $3  }
0xdf: {  	_ =	sdelay $0x1  }
0xe0: {  	s6 =	sadd.s32 $0x40, s6  }
0xe1: {  	s1 =	sadd.s32 $0xFFFFFFC0, s1;
	s5 =	sadd.s32 $0xFFFFFFC0, s5;
	s0 =	sadd.s32 $0xFFFFFFFF, s0;
	[tilespmem:v11+s20+$0x0] =	vst.idx.msk vm1, v3  }
.Ltmp15:
0xe2: {  	_ = 	snop;
	(pc) =	sbr.rel .LBB2_13-.Ltmp15, $1  }
0xe3: {  	_ =	sdelay $0x3  }
.LBB2_17:
0xe4: {  	_ =	sfence.sel $0x180000  }
0xe5: {  	[bflag:$0x0] =	sbarrier.arrive $0xFFFF  }
0xe6: {  	_ =	strace $0x9000004A  }
0xe7: {  	[bflag:$0x2] =	sbarrier.arrive $0xFFFF  }
0xe8: {  	s0 =	rddreg [dreg:$0x3]  }
0xe9: {  	s0 =	sadd.s32 @!p0 $0x100000, s0  }
0xea: {  	[sflag:s0] =	ssyncadd.tile.s32 @!p0 $0x1;
	_ =	shalt  }
.Lfunc_end2:
_tile_overlayer_lowered:
.L_overlay_start_2:
0xeb: {  	(tag) =	ssettag $0x2  }
0xec: {  	s0 =	rddreg [dreg:$0x0];
	s2 =	stileid.u32  }
0xed: {  	s1 =	rddreg [dreg:$0x1];
	p0 =	sne.s32 s2, $0x0  }
0xee: {  	s3 =	rddreg [dreg:$0x2];
	[bflag:$0x3] =	sbarrier.arrive $0xFFFF;
	s2 =	simm.s32 @!p0 $0x1C02  }
0xef: {  	[timem:s3], [sflag:s2] =	dma.local @!p0 [hbm:s0], s1  }
0xf0: {  	s0 =	simm.s32 @!p0 $0x2  }
0xf1: {  	_ =	swait.ge @!p0 [sflag:s0], s1  }
0xf2: {  	s1 =	ssub.s32 @!p0 $0x0, s1;
	[sflag:s0] =	ssyncset.done @!p0 $0x0  }
0xf3: {  	[sflag:s0] =	ssyncadd.s32 @!p0 s1  }
0xf4: {  	[bflag:$0x3] =	sbarrier.arrive $0xFFFF  }
0xf5: {  	_ =	shalt  }

// kernel: scatter_offload_async_start
scs
__scs_entry_jumppad:
0x0: {  	(pc) =	sbr.rel $0x88, $3  }
0x1: {  	(tag) =	ssettag $0x0;
	lr =	simm.s32 $0x1  }
0x2: {  	[smem:$0x3F82] =	sst lr;
	_ =	strace $0xD0000000  }
0x3: {  	_ = 	snop  }
0x4: {  	_ = 	snop  }
0x5: {  	_ = 	snop  }
0x6: {  	_ = 	snop  }
0x7: {  	_ = 	snop  }
__scs_overlays_trampoline_lowered:
0x8: {  	[smem:$0x3F91] =	sst s0  }
0x9: {  	[smem:$0x3F92] =	sst s1  }
0xa: {  	[smem:$0x3F93] =	sst s2  }
0xb: {  	[smem:$0x3F94] =	sst s3  }
0xc: {  	[smem:$0x3F95] =	sst s4  }
0xd: {  	[smem:$0x3F96] =	sst s5  }
0xe: {  	[smem:$0x3F97] =	sst s6  }
0xf: {  	[smem:$0x3F98] =	sst s7  }
0x10: {  	[smem:$0x3F99] =	sst s8  }
0x11: {  	[smem:$0x3F9A] =	sst s9;
	s0 =	simm.s32 @!p0 $0x0  }
0x12: {  	s1 =	sld [smem:$0x3F80];
	s0 =	simm.s32 @p0 $0x1  }
0x13: {  	[smem:$0x3F9B] =	sst s0;
	s0 =	simm.s32 @!p1 $0x0  }
0x14: {  	s2 =	sld [smem:$0x3F7F];
	s0 =	simm.s32 @p1 $0x1  }
0x15: {  	[smem:$0x3F9C] =	sst s0;
	s0 =	simm.s32 @!p2 $0x0  }
0x16: {  	s3 =	sld [smem:$0x3FDB];
	s0 =	simm.s32 @p2 $0x1  }
0x17: {  	s4 =	simm.s32 $0x1BF5;
	[smem:$0x3F9E] =	sst s0  }
0x18: {  	s0 =	sld [smem:$0x3F81];
	_ =	swait.ge [sflag:s4], $0x0  }
0x19: {  	s7 =	sld [smem:$0x3F82]  }
0x1a: {  	s8 =	sadd.s32 $0xFFFFE003, lr  }
0x1b: {  	s9 =	sadd.s32 $0xFFFFFEF7, lr;
	s5 =	simm.s32 $0xFFFFFFFF;
	p2 =	slt.u32 s8, $0xFFFFF086  }
0x1c: {  	p1 =	slt.u32 s9, $0xF7A;
	s5 =	simm.s32 @!p2 $0x0  }
0x1d: {  	s5 =	simm.s32 @p1 $0x1;
	p0 =	seq.s32 s7, s2  }
0x1e: {  	s7 =	smul.u32 @!p0 $0xF7A, s2;
	p2 =	seq.s32 @!p0 s5, $0x0  }
0x1f: {  	s9 =	smul.u32 $0xF7A, s1;
	s8 =	simm.s32 @!p0 $0x1BF5;
	p2 =	por !p2, p0  }
0x20: {  	[sflag:s8] =	ssyncset.s32 @!p0 $0xFFFFF086;
	s6 =	sadd.s32 @!p0 s3, s7;
	s7 =	simm.s32 @!p0 $0x108  }
0x21: {  	s3 =	sadd.s32 s3, s9;
	s6 =	sadd.s32 @!p0 $0x88, s6;
	s7 =	simm.s32 @p2 $0x1082  }
0x22: {  	[simem:s7], [sflag:s8] =	dma.local @!p0 [hbm:s6], $0xF7A  }
0x23: {  	s9 =	sor.u32 $0xD0000000, s2;
	s6 =	simm.s32 $0x108;
	_ =	swait.ge @!p0 [sflag:s8], $0x0  }
0x24: {  	s3 =	sadd.s32 $0x88, s3;
	s6 =	simm.s32 @!p1 $0x1082;
	[sflag:s4] =	ssyncset.s32 $0xFFFFF086  }
0x25: {  	[simem:s6], [sflag:s4] =	dma.local [hbm:s3], $0xF7A  }
0x26: {  	[smem:$0x3F82] =	sst s1;
	(tag) =	ssettag s2;
	_ =	strace s9  }
0x27: {  	s1 =	sld [smem:$0x3F92]  }
0x28: {  	s2 =	sld [smem:$0x3F93]  }
0x29: {  	s4 =	sld [smem:$0x3F95]  }
0x2a: {  	p0 =	seq.s32 s5, $0x0;
	s5 =	sld [smem:$0x3F96]  }
0x2b: {  	s6 =	sld [smem:$0x3F97]  }
0x2c: {  	s7 =	sld [smem:$0x3F98]  }
0x2d: {  	s3 =	simm.s32 $0x108;
	s8 =	sld [smem:$0x3F99]  }
0x2e: {  	s3 =	simm.s32 @!p0 $0x1082;
	s9 =	sld [smem:$0x3F9A]  }
0x2f: {  	lr =	sadd.s32 s0, s3;
	s0 =	sld [smem:$0x3F91]  }
0x30: {  	s3 =	sld [smem:$0x3F94]  }
0x31: {  	[smem:$0x3F9D] =	sst s10  }
0x32: {  	s10 =	sld [smem:$0x3F9B];
	_ =	sdelay $0x3  }
0x33: {  	p0 =	seq.s32 s10, $0x1;
	s10 =	sld [smem:$0x3F9D];
	_ =	sdelay $0x3  }
0x34: {  	[smem:$0x3F9D] =	sst s10  }
0x35: {  	s10 =	sld [smem:$0x3F9C];
	_ =	sdelay $0x3  }
0x36: {  	p1 =	seq.s32 s10, $0x1;
	s10 =	sld [smem:$0x3F9D];
	_ =	sdelay $0x3  }
0x37: {  	[smem:$0x3F9D] =	sst s10  }
0x38: {  	s10 =	sld [smem:$0x3F9E]  }
0x39: {  	_ = 	snop;
	(pc) =	sbr.ind lr, $3  }
0x3a: {  	_ = 	snop  }
0x3b: {  	_ = 	snop  }
0x3c: {  	p2 =	seq.s32 s10, $0x1;
	s10 =	sld [smem:$0x3F9D]  }
0x3d: {  	_ =	shalt  }
0x3e: {  	_ =	shalt  }
0x3f: {  	_ =	shalt  }
0x40: {  	_ =	shalt  }
0x41: {  	_ =	shalt  }
0x42: {  	_ =	shalt  }
0x43: {  	_ =	shalt  }
0x44: {  	_ =	shalt  }
0x45: {  	_ =	shalt  }
0x46: {  	_ =	shalt  }
0x47: {  	_ =	shalt  }
0x48: {  	_ =	shalt  }
0x49: {  	_ =	shalt  }
0x4a: {  	_ =	shalt  }
0x4b: {  	_ =	shalt  }
0x4c: {  	_ =	shalt  }
0x4d: {  	_ =	shalt  }
0x4e: {  	_ =	shalt  }
0x4f: {  	_ =	shalt  }
0x50: {  	_ =	shalt  }
0x51: {  	_ =	shalt  }
0x52: {  	_ =	shalt  }
0x53: {  	_ =	shalt  }
0x54: {  	_ =	shalt  }
0x55: {  	_ =	shalt  }
0x56: {  	_ =	shalt  }
0x57: {  	_ =	shalt  }
0x58: {  	_ =	shalt  }
0x59: {  	_ =	shalt  }
0x5a: {  	_ =	shalt  }
0x5b: {  	_ =	shalt  }
0x5c: {  	_ =	shalt  }
0x5d: {  	_ =	shalt  }
0x5e: {  	_ =	shalt  }
0x5f: {  	_ =	shalt  }
0x60: {  	_ =	shalt  }
0x61: {  	_ =	shalt  }
0x62: {  	_ =	shalt  }
0x63: {  	_ =	shalt  }
0x64: {  	_ =	shalt  }
0x65: {  	_ =	shalt  }
0x66: {  	_ =	shalt  }
0x67: {  	_ =	shalt  }
0x68: {  	_ =	shalt  }
0x69: {  	_ =	shalt  }
0x6a: {  	_ =	shalt  }
0x6b: {  	_ =	shalt  }
0x6c: {  	_ =	shalt  }
0x6d: {  	_ =	shalt  }
0x6e: {  	_ =	shalt  }
0x6f: {  	_ =	shalt  }
0x70: {  	_ =	shalt  }
0x71: {  	_ =	shalt  }
0x72: {  	_ =	shalt  }
0x73: {  	_ =	shalt  }
0x74: {  	_ =	shalt  }
0x75: {  	_ =	shalt  }
0x76: {  	_ =	shalt  }
0x77: {  	_ =	shalt  }
0x78: {  	_ =	shalt  }
0x79: {  	_ =	shalt  }
0x7a: {  	_ =	shalt  }
0x7b: {  	_ =	shalt  }
0x7c: {  	_ =	shalt  }
0x7d: {  	_ =	shalt  }
0x7e: {  	_ =	shalt  }
0x7f: {  	_ =	shalt  }
0x80: {  	_ =	shalt  }
0x81: {  	_ =	shalt  }
0x82: {  	_ =	shalt  }
0x83: {  	_ =	shalt  }
0x84: {  	_ =	shalt  }
0x85: {  	_ =	shalt  }
0x86: {  	_ =	shalt  }
0x87: {  	_ =	shalt  }
.Lfunc_end0:
.L_simem_size_0:
called_computation_lowered:
.L_overlay_start_0:
0x88: {  	s0 =	sld [smem:$0x3FD9]  }
0x89: {  	s1 =	sld [smem:$0x3FFE];
	_ =	sdelay $0x3  }
0x8a: {  	s0 =	sadd.s32 s1, s0  }
0x8b: {  	[smem:$0x3FA9] =	sst s0  }
0x8c: {  	_ = 	snop  }
0x8d: {  	(tm) =	ssettm $0x1  }
0x8e: {  	s15 =	sld [smem:$0x3FFB];
	_ =	sdelay $0x3  }
0x8f: {  	_ =	strace s15  }
0x90: {  	s0 =	sld [smem:$0x3FFC];
	_ =	sdelay $0x3  }
0x91: {  	_ =	strace s0  }
0x92: {  	s0 =	sld [smem:$0x3FFD];
	_ =	sdelay $0x3  }
0x93: {  	_ =	strace s0  }
0x94: {  	_ =	strace $0x8FFFFFFF  }
0x95: {  	s16 =	sld [smem:$0x3FDB];
	_ =	sdelay $0x1  }
0x96: {  	s17 =	simm.s32 $_scs_section_size  }
0x97: {  	s2 =	simm.s32 $_size__tile_overlayer_lowered;
	s3 =	simm.s32 $_tile_overlayer_lowered  }
0x98: {  	s20 =	simm.s32 $0x1BFF;
	s19 =	sshll.u32 s3, $0x1;
	s0 =	sadd.s32 s17, s16  }
0x99: {  	s4 =	simm.s32 $0x0;
	s18 =	sshll.u32 s2, $0x1;
	s2 =	sadd.s32 s19, s0  }
0x9a: {  	[timem:s4], [sflag:s20] =	dma.local [hbm:s2], s18  }
0x9b: {  	_ =	swait.ge [sflag:s20], s18  }
0x9c: {  	s1 =	ssub.s32 $0x0, s18;
	[sflag:s20] =	ssyncset.done $0x0  }
0x9d: {  	[sflag:s20] =	ssyncadd.s32 s1;
	_ =	sdelay $0x1  }
0x9e: {  	s21 =	simm.s32 $0x1B8B  }
0x9f: {  	_ =	swait.ge [sflag:s21], $0x1  }
0xa0: {  	[sflag:s21] =	ssyncset.done $0x0  }
0xa1: {  	s23 =	simm.s32 $0x1B8E;
	s22 =	sld [smem:$0x3FFE];
	[sflag:s21] =	ssyncadd.s32 $0xFFFFFFFF  }
0xa2: {  	s24 =	simm.s32 $execute0_lowered;
	[smem:$0x3FD2] =	sst s23  }
0xa3: {  	s2 =	sshll.u32 s24, $0x1;
	_ =	strace $0x80000046;
	[dreg:$0x1] =	wrdreg $0xFFFFFFFF  }
0xa4: {  	s25 =	simm.s32 $_size_execute0_lowered;
	s0 =	sadd.s32 s0, s2;
	[dreg:$0x0] =	wrdreg $0x0  }
0xa5: {  	s2 =	sshll.u32 s25, $0x1;
	[dreg:$0x2] =	wrdreg s0  }
0xa6: {  	[dreg:$0x3] =	wrdreg s2  }
0xa7: {  	[dreg:$0x4] =	wrdreg $0xC0  }
0xa8: {  	_ =	task [dreg:s4], $0x5FFFF  }
0xa9: {  	[dreg:$0x1] =	wrdreg $0xFFFFFFFF  }
0xaa: {  	[dreg:$0x0] =	wrdreg $0x60  }
0xab: {  	[dreg:$0x2] =	wrdreg s22  }
0xac: {  	[dreg:$0x3] =	wrdreg $0x9  }
0xad: {  	_ =	task.clear_ibuf [dreg:s4], $0x4FFFF;
	_ =	strace $0x90000046  }
0xae: {  	s26 =	simm.s32 $0x9;
	_ =	strace $0x80000048  }
0xaf: {  	_ =	swait.ge [sflag:s26], $0x1  }
0xb0: {  	[sflag:s26] =	ssyncadd.s32 $0xFFFFFFFF  }
0xb1: {  	_ =	strace $0x90000048  }
0xb2: {  	_ =	sfence  }
0xb3: {  	s28 =	sld [smem:$0x0];
	_ =	sdelay $0x1  }
0xb4: {  	s29 =	srdreg.scid  }
0xb5: {  	s30 =	sshll.u32 s29, $0xD;
	s31 =	sshrl.u32 s29, $0x2  }
0xb6: {  	s1 =	sand.u32 $0x1, s29;
	s2 =	sand.u32 $0x4000, s30;
	s0 =	sadd.s32 s31, s28  }
0xb7: {  	s1 =	sor.u32 s2, s1;
	s0 =	sshll.u32 s0, $0x11  }
0xb8: {  	s0 =	sor.u32 s0, s1  }
0xb9: {  	s0 =	sadd.s32 $0x8F2B, s0  }
0xba: {  	[sflag:s0] =	ssyncadd.remote.s32 $0x1  }
0xbb: {  	_ =	sfence.sel $0xFFFF  }
0xbc: {  	[dreg:$0x0] =	wrdreg $0xFFFFFFFF;
	(pc) =	sbr.abs _section_cstart, $3  }
0xbd: {  	[dreg:$0x1] =	wrdreg $0xFFFFFFFF  }
0xbe: {  	_ =	task.clear_ibuf [dreg:s4], $0x2FFFF;
	_ =	strace $0x9FFFFFFF  }
0xbf: {  	(tm) =	ssettm $0x7FFFFFFF  }
tec
execute0_lowered:
.L_overlay_start_1:
0x0: {  	(tag) =	ssettag $0x1  }
0x1: {  	s7 =	rddreg [dreg:$0x0]  }
0x2: {  	s0 =	rddreg [dreg:$0x1]  }
0x3: {  	_ =	strace $0x80000047;
	s3 =	stileid.u32;
	s4 =	simm.s32 $0x3E  }
0x4: {  	s1 =	sadd.s32 $0x11000, s7;
	p0 =	sne.s32 s3, $0x0;
	[sflag:s4] =	ssyncpa.u1 $0x0  }
0x5: {  	s30 =	smin.u32 s3, $0x4;
	s2 =	simm.s32 @!p0 $0x1C3E;
	s5 =	simm.s32 @!p0 $0x0  }
0x6: {  	[spmem:s5], [sflag:s2] =	dma.local @!p0 [hbm:s1], $0x500  }
0x7: {  	s2 =	sadd.s32 s3, s30  }
0x8: {  	p1 =	slt.u32 s3, $0x4;
	s3 =	simm.s32 $0x3E80;
	s2 =	smul.u32 $0x1F40, s2  }
0x9: {  	s3 =	simm.s32 @!p1 $0x1F40  }
0xa: {  	s3 =	sadd.s32 s3, s2  }
0xb: {  	s3 =	smin.u32 s3, $0x27100  }
0xc: {  	s8 =	ssub.s32 s3, s2  }
0xd: {  	p1 =	sgt.s32 s8, $0x0  }
0xe: {  	s8 =	simm.s32 @!p1 $0x0  }
0xf: {  	s5 =	simm.s32 @!p0 $0x3E;
	s31 =	smulhi.u32 $0x10624DD3, s8  }
0x10: {  	_ =	swait.ge @!p0 [sflag:s5], $0x500  }
0x11: {  	s6 =	simm.s32 $0x2;
	[sflag:s5] =	ssyncset.done @!p0 $0x0;
	s9 =	sshrl.u32 s31, $0x9  }
0x12: {  	s11 =	simm.s32 $0x0;
	[sflag:s5] =	ssyncadd.s32 @!p0 $0xFFFFFB00;
	s10 =	smul.u32 $0x1F40, s9  }
.Ltmp0:
0x13: {  	s5 =	sadd.s32 $0x1E00, s7;
	[bflag:$0x0] =	sbarrier.arrive $0xFFFF;
	(pc) =	sbr.rel .LBB2_1-.Ltmp0, $4  }
0x14: {  	s7 =	sadd.s32 $0xC000, s7;
	[sflag:s4] =	ssyncpa.u1 $0x1;
	s4 =	simm.s32 $0x1  }
0x15: {  	[sflag:s4] =	ssyncpa.u1 $0x0;
	p1 =	sne.s32 s8, s10;
	s8 =	simm.s32 $0x1  }
0x16: {  	(ifvalue) =	ssetifvalue $0x2800;
	[sflag:s6] =	ssyncpa.u1 $0x0;
	s8 =	simm.s32 @!p1 $0x0  }
0x17: {  	vm0 =	vmmov $0xffff;
	s10 =	smov.u32 s2;
	s8 =	sadd.s32 s8, s9;
	s9 =	simm.s32 $0x0  }
.LBB2_5:
0x18: {  	p2 =	sne.s32 s11, s8  }
.Ltmp1:
0x19: {  	_ = 	snop;
	(pc) =	sbr.rel @!p2 .LBB2_6-.Ltmp1, $4  }
0x1a: {  	_ = 	snop  }
0x1b: {  	s12 =	sadd.s32 $0x1F40, s10  }
0x1c: {  	s10 =	smov.u32 s2;
	s13 =	sadd.s32 $0x1, s11;
	p1 =	slt.s32 s12, s3  }
0x1d: {  	s11 =	smov.u32 s13;
	s10 =	smov.u32 @p1 s12  }
.LBB2_1:
0x1e: {  	p1 =	sge.u32 s11, s8  }
0x1f: {  	s12 =	sxor.u32 @!p1 $0xFFFFFFFF, s11  }
0x20: {  	s12 =	sand.u32 @!p1 $0x1, s12  }
0x21: {  	s12 =	smul.u32 @!p1 $0x1F40, s12  }
0x22: {  	s13 =	sshrl.u32 @!p1 s10, $0x3  }
0x23: {  	s16 =	sand.u32 @!p1 $0x7, s10;
	s14 =	sadd.s32 @!p1 s5, s13;
	s15 =	sadd.s32 @!p1 $0x280, s12  }
0x24: {  	[tilespmem:s15], [sflag:$0x2] =	stream.linear.gather @!p1 [hbm4b:s14+s16], $0x1F40, $0x38;
	[tilespmem:$0x7F80] =	vst v63  }
0x25: {  	s13 =	sadd.s32 @!p1 s7, s13;
	s12 =	sadd.s32 @!p1 $0x4100, s12  }
0x26: {  	[tilespmem:s12], [sflag:$0x2] =	stream.linear.gather @!p1 [hbm4b:s13+s16], $0x1F40, $0x38;
	[tilespmem:$0x7F80] =	vst v63  }
0x27: {  	p1 =	seq.s32 s11, $0x0  }
.Ltmp2:
0x28: {  	_ = 	snop;
	(pc) =	sbr.rel @p1 .LBB2_5-.Ltmp2, $1  }
0x29: {  	_ =	sdelay $0x3  }
0x2a: {  	s12 =	sand.u32 $0x1, s11  }
0x2b: {  	_ =	swait.ge [sflag:s6], $0x3E80;
	p1 =	seq.s32 s12, $0x1;
	s12 =	simm.s32 $0x1F40  }
0x2c: {  	[sflag:s6] =	ssyncset.done $0x0;
	s12 =	simm.s32 @!p1 $0x0  }
0x2d: {  	[sflag:s6] =	ssyncadd.s32 $0xFFFFC180;
	s14 =	sadd.s32 $0x280, s12  }
0x2e: {  	v0 =	vld.msk [tilespmem:s14+$0x0 ss:$0x1], $0xffff;
	_ =	sdelay $0x4  }
0x2f: {  	v0 =	vmin.u32 v0, $0x2800;
	_ =	sdelay $0x3  }
0x30: {  	s13 =	simm.s32 $0x0;
	s12 =	sadd.s32 $0x4100, s12;
	s14 =	sadd.s32 $0x10, s14  }
0x31: {  	[spmem:s9] =	stream.indirect_vreg.scatter.add.s32 [tilespmem:s12], [sflag:$0x1], $0x1, v0, vm0, $0x4038;
	[tilespmem:$0x7F80] =	vst v63  }
.LBB2_3:
0x32: {  	v0 =	vld.msk [tilespmem:s14+$0x0 ss:$0x1], $0xffff;
	s13 =	sadd.s32 $0x10, s13  }
0x33: {  	p1 =	slt.u32 s13, $0x1F30;
	_ =	sdelay $0x4  }
0x34: {  	v0 =	vmin.u32 v0, $0x2800  }
.Ltmp3:
0x35: {  	(pc) =	sbr.rel @p1 .LBB2_3-.Ltmp3, $3  }
0x36: {  	_ =	sdelay $0x1  }
0x37: {  	s14 =	sadd.s32 $0x10, s14;
	s12 =	sadd.s32 $0x10, s12  }
0x38: {  	[spmem:s9] =	stream.indirect_vreg.scatter.add.s32 [tilespmem:s12], [sflag:$0x1], $0x1, v0, vm0, $0x4038;
	[tilespmem:$0x7F80] =	vst v63  }
.Ltmp4:
0x39: {  	(pc) =	sbr.rel .LBB2_5-.Ltmp4, $4  }
0x3a: {  	_ = 	snop  }
0x3b: {  	_ =	swait.ge [sflag:s4], $0x1F40  }
0x3c: {  	[sflag:s4] =	ssyncset.done $0x0  }
0x3d: {  	[sflag:s4] =	ssyncadd.s32 $0xFFFFE0C0  }
.LBB2_6:
0x3e: {  	_ =	sfence.sel $0x180000  }
0x3f: {  	s2 =	simm.s32 $0x2;
	[bflag:$0x0] =	sbarrier.arrive $0xFFFF  }
0x40: {  	s30 =	simm.s32 $0x1;
	[sflag:s2] =	ssyncpa.u1 $0x1  }
0x41: {  	[sflag:s30] =	ssyncpa.u1 $0x1  }
0x42: {  	_ =	sfence.stream.spmem  }
0x43: {  	s31 =	simm.s32 $0x3D;
	[bflag:$0x0] =	sbarrier.arrive $0xFFFF  }
0x44: {  	s2 =	simm.s32 @p0 $0x3D;
	[sflag:s31] =	ssyncpa.u1 $0x0  }
0x45: {  	[sflag:s2] =	ssyncpa.u1 @p0 $0x1  }
0x46: {  	[bflag:$0x0] =	sbarrier.arrive @p0 $0xFFFF  }
0x47: {  	_ =	strace @p0 $0x90000047  }
0x48: {  	s3 =	simm.s32 @!p0 $0x1C3D;
	s2 =	simm.s32 @!p0 $0x0;
	[bflag:$0x2] =	sbarrier.arrive @p0 $0xFFFF  }
0x49: {  	[hbm:s1], [sflag:s3] =	dma.local @!p0 [spmem:s2], $0x500  }
0x4a: {  	s1 =	simm.s32 @!p0 $0x3D  }
0x4b: {  	_ =	swait.ge @!p0 [sflag:s1], $0x500  }
0x4c: {  	[sflag:s1] =	ssyncset.done @!p0 $0x0  }
0x4d: {  	[sflag:s1] =	ssyncadd.s32 @!p0 $0xFFFFFB00  }
0x4e: {  	[sflag:s1] =	ssyncpa.u1 @!p0 $0x1  }
0x4f: {  	[bflag:$0x0] =	sbarrier.arrive @!p0 $0xFFFF  }
0x50: {  	_ =	strace @!p0 $0x90000047  }
0x51: {  	s0 =	sadd.s32 @!p0 $0x100000, s0;
	[bflag:$0x2] =	sbarrier.arrive @!p0 $0xFFFF  }
0x52: {  	[sflag:s0] =	ssyncadd.tile.s32 @!p0 $0x1;
	_ =	shalt  }
.Lfunc_end2:
_tile_overlayer_lowered:
.L_overlay_start_2:
0x53: {  	(tag) =	ssettag $0x2  }
0x54: {  	s0 =	rddreg [dreg:$0x0];
	s2 =	stileid.u32  }
0x55: {  	s1 =	rddreg [dreg:$0x1];
	p0 =	sne.s32 s2, $0x0  }
0x56: {  	s3 =	rddreg [dreg:$0x2];
	[bflag:$0x3] =	sbarrier.arrive $0xFFFF;
	s2 =	simm.s32 @!p0 $0x1C01  }
0x57: {  	[timem:s3], [sflag:s2] =	dma.local @!p0 [hbm:s0], s1  }
0x58: {  	s0 =	simm.s32 @!p0 $0x1  }
0x59: {  	_ =	swait.ge @!p0 [sflag:s0], s1  }
0x5a: {  	s1 =	ssub.s32 @!p0 $0x0, s1;
	[sflag:s0] =	ssyncset.done @!p0 $0x0  }
0x5b: {  	[sflag:s0] =	ssyncadd.s32 @!p0 s1  }
0x5c: {  	[bflag:$0x3] =	sbarrier.arrive $0xFFFF  }
0x5d: {  	_ =	shalt  }

</sc_bundles>
